<compile_context>
chip_gen: v7x
topology: tpu7x:2x2x1
jax: 0.10.2.dev20260603
libtpu: 0.0.44.dev20260713+nightly
codegen_flags: <defaults>
</compile_context>

<pallas_src>
import functools
import math

import numpy as np
import jax
import jax.numpy as jnp
from jax import lax
from jax.experimental import pallas as pl
from jax.experimental.pallas import tpu as pltpu
from jax.experimental.pallas import tpu_sc as plsc

D_MODEL = 256
N_SAMPLES = 64
L = 16
NCORES = 2
NSUB = 16
WPB = 8
UNROLL = 8
_INF = np.float32(float("inf"))
_NINF = np.float32(-float("inf"))


def _make_pe_tiled(batch):
    pos = np.arange(N_SAMPLES)[:, None].astype(np.float32)
    div = np.exp(np.arange(0, D_MODEL, 2).astype(np.float32)
                 * (-math.log(10000.0) / D_MODEL))
    pe = np.zeros((N_SAMPLES, D_MODEL), dtype=np.float32)
    pe[:, 0::2] = np.sin(pos * div)
    pe[:, 1::2] = np.cos(pos * div)
    return np.tile(pe, (batch, 1))


def _build_rec(iota, mv, xb, yb, zb, wb):
    return jnp.where(iota == 0, mv,
           jnp.where(iota == 1, xb,
           jnp.where(iota == 2, yb,
           jnp.where(iota == 3, zb, wb))))


@functools.lru_cache(maxsize=None)
def _make_fps_kernel(batch, n_points, chunk):
    n_slices = chunk // (L * UNROLL)
    bpc = batch // NCORES

    mesh = plsc.VectorSubcoreMesh(core_axis_name="c", subcore_axis_name="s")

    @functools.partial(
        pl.kernel,
        out_type=jax.ShapeDtypeStruct((batch * N_SAMPLES * 4,), jnp.float32),
        mesh=mesh,
        compiler_params=pltpu.CompilerParams(needs_layout_passes=False),
        scratch_types=[
            pltpu.VMEM((chunk,), jnp.float32),
            pltpu.VMEM((chunk,), jnp.float32),
            pltpu.VMEM((chunk,), jnp.float32),
            pltpu.VMEM((chunk,), jnp.float32),
            pltpu.VMEM((chunk,), jnp.float32),
            pltpu.VMEM((L,), jnp.float32),
            pltpu.VMEM((WPB * L,), jnp.float32),
            pltpu.VMEM((N_SAMPLES * 4,), jnp.float32),
            pltpu.VMEM_SHARED((NSUB * L,), jnp.float32),
        ],
    )
    def fps_kernel(pts_hbm, out_hbm, x_ref, y_ref, z_ref, w_ref, dist_ref,
                   rec_ref, recs_ref, samp_ref, shared_ref):
        c = lax.axis_index("c")
        s = lax.axis_index("s")
        b = c * bpc + s // WPB
        g = s % WPB
        base = jnp.minimum(g * chunk, n_points - chunk) // 128 * 128
        iota = lax.iota(jnp.int32, L)
        gb = (s // WPB) * WPB
        in_group = iota < WPB
        ch_mask = iota < 4

        pltpu.sync_copy(pts_hbm.at[b, 0, pl.ds(base, chunk)], x_ref)
        pltpu.sync_copy(pts_hbm.at[b, 1, pl.ds(base, chunk)], y_ref)
        pltpu.sync_copy(pts_hbm.at[b, 2, pl.ds(base, chunk)], z_ref)
        pltpu.sync_copy(pts_hbm.at[b, 3, pl.ds(base, chunk)], w_ref)
        inf_v = jnp.full((L,), _INF)

        def init_step(t, _):
            dist_ref[pl.ds(t * L, L)] = inf_v
            return 0
        lax.fori_loop(0, chunk // L, init_step, 0, unroll=8)

        def publish_select(rec, i):
            rec_ref[...] = rec
            pltpu.sync_copy(rec_ref, shared_ref.at[pl.ds(s * L, L)])
            plsc.subcore_barrier()
            pltpu.sync_copy(shared_ref.at[pl.ds(gb * L, WPB * L)], recs_ref)
            m_all = plsc.load_gather(recs_ref, [iota * L], mask=in_group)
            mval = jnp.where(in_group, m_all, _NINF)
            mmax = jnp.max(mval)
            wg = jnp.min(jnp.where(mval == mmax, iota, jnp.int32(64)))
            wb = wg * L
            wbv = jnp.full((L,), wb, jnp.int32)
            cx = plsc.load_gather(recs_ref, [wbv + 1])
            cy = plsc.load_gather(recs_ref, [wbv + 2])
            cz = plsc.load_gather(recs_ref, [wbv + 3])

            @pl.when(g == 0)
            def _():
                vals = plsc.load_gather(recs_ref, [wbv + 1 + iota],
                                        mask=ch_mask)
                plsc.store_scatter(samp_ref, [i * 4 + iota], vals,
                                   mask=ch_mask)

            return cx, cy, cz

        def _lane_splat(v, k):
            return jnp.full((L,), jnp.sum(jnp.where(iota == k, v, 0.0)))

        x0 = _lane_splat(x_ref[pl.ds(0, L)], 0)
        y0 = _lane_splat(y_ref[pl.ds(0, L)], 0)
        z0 = _lane_splat(z_ref[pl.ds(0, L)], 0)
        w0 = _lane_splat(w_ref[pl.ds(0, L)], 0)
        m0 = jnp.where(g == 0, _INF, _NINF)
        rec0 = _build_rec(iota, jnp.full((L,), m0), x0, y0, z0, w0)
        carry0 = publish_select(rec0, jnp.int32(0))

        def fps_step(i, carry):
            cx, cy, cz = carry

            def upd(t, bc):
                bv, bp = bc
                off = t * L
                dx = x_ref[pl.ds(off, L)] - cx
                dy = y_ref[pl.ds(off, L)] - cy
                dz = z_ref[pl.ds(off, L)] - cz
                d2 = dx * dx + dy * dy + dz * dz
                nd = jnp.minimum(dist_ref[pl.ds(off, L)], d2)
                dist_ref[pl.ds(off, L)] = nd
                gt = nd > bv
                bv = jnp.where(gt, nd, bv)
                bp = jnp.where(gt, off + iota, bp)
                return bv, bp

            bv, bp = plsc.parallel_loop(
                0, chunk // L, unroll=UNROLL,
                carry=(jnp.full((L,), _NINF), iota))(upd)
            ml = jnp.max(bv)
            lp = jnp.min(jnp.where(bv == ml, bp, jnp.int32(1 << 30)))
            pv = jnp.full((L,), lp, jnp.int32)
            xb = plsc.load_gather(x_ref, [pv])
            yb = plsc.load_gather(y_ref, [pv])
            zb = plsc.load_gather(z_ref, [pv])
            wb = plsc.load_gather(w_ref, [pv])
            rec = _build_rec(iota, jnp.full((L,), ml), xb, yb, zb, wb)
            return publish_select(rec, i + 1)

        lax.fori_loop(0, N_SAMPLES - 1, fps_step, carry0)

        @pl.when(g == 0)
        def _():
            pltpu.sync_copy(samp_ref,
                            out_hbm.at[pl.ds(b * (N_SAMPLES * 4),
                                             N_SAMPLES * 4)])

    return fps_kernel


def _mlp_body(s_ref, w1_ref, b1_ref, w2_ref, b2_ref, w3_ref, b3_ref,
              pe_ref, o_ref):
    h = jnp.dot(s_ref[...], w1_ref[...],
                preferred_element_type=jnp.float32) + b1_ref[...]
    h = jnp.maximum(h, 0.0)
    h = jnp.dot(h, w2_ref[...],
                preferred_element_type=jnp.float32) + b2_ref[...]
    h = jnp.maximum(h, 0.0)
    o_ref[...] = (jnp.dot(h, w3_ref[...],
                          preferred_element_type=jnp.float32)
                  + b3_ref[...] + pe_ref[...])


def kernel(points, W1, b1, W2, b2, W3, b3):
    batch, n_points, _ = points.shape
    m = min(N_SAMPLES, n_points)
    gran = L * UNROLL
    chunk = ((n_points + WPB - 1) // WPB + gran - 1) // gran * gran

    pts_planes = jnp.transpose(points, (0, 2, 1))
    samp = _make_fps_kernel(batch, n_points, chunk)(pts_planes)
    s2d = samp.reshape(batch * N_SAMPLES, 4)

    pe_tiled = jnp.asarray(_make_pe_tiled(batch))
    out = pl.pallas_call(
        _mlp_body,
        out_shape=jax.ShapeDtypeStruct((batch * N_SAMPLES, D_MODEL),
                                       jnp.float32),
    )(s2d, W1.T, b1.reshape(1, -1), W2.T, b2.reshape(1, -1),
      W3.T, b3.reshape(1, -1), pe_tiled)
    return out.reshape(batch, m, D_MODEL)

# --- scband reference (transcript-rebuilt; emitter-appended) ---
"""Pipeline reference for scband-li-dartokenizer-64166811402568 (READ-ONLY COPY).

The authoritative reference and input builder live on the scoring server;
editing this copy changes nothing except your own understanding.
"""

import jax, jax.numpy as jnp
import numpy as np
import math

D_MODEL = 256
N_SAMPLES = 64
MAX_LEN = 4096


def make_pe(d_model, max_len):
    pos = np.arange(max_len)[:, None].astype(np.float32)
    div = np.exp(np.arange(0, d_model, 2).astype(np.float32) * (-math.log(10000.0) / d_model))
    pe = np.zeros((max_len, d_model), dtype=np.float32)
    pe[:, 0::2] = np.sin(pos * div)
    pe[:, 1::2] = np.cos(pos * div)
    return jnp.asarray(pe)


def _linear_init(k, fan_in, fan_out):
    bound = 1.0 / math.sqrt(fan_in)
    kw, kb = jax.random.split(k)
    W = jax.random.uniform(kw, (fan_out, fan_in), minval=-bound, maxval=bound, dtype=jnp.float32)
    b = jax.random.uniform(kb, (fan_out,), minval=-bound, maxval=bound, dtype=jnp.float32)
    return W, b


def setup_inputs(seed: int = 0) -> dict:
    key = jax.random.key(seed)
    ks = jax.random.split(key, 4)
    points = jax.random.normal(ks[0], (4, 100000, 4), dtype=jnp.float32)
    W1, b1 = _linear_init(ks[1], 4, 64)
    W2, b2 = _linear_init(ks[2], 64, 128)
    W3, b3 = _linear_init(ks[3], 128, D_MODEL)
    return {"points": points, "W1": W1, "b1": b1, "W2": W2, "b2": b2, "W3": W3, "b3": b3}


def _fps(xyz, n):
    B, N, _ = xyz.shape
    sel = []
    dist = jnp.full((B, N), jnp.inf, dtype=jnp.float32)
    cur = jnp.zeros((B,), dtype=jnp.int32)
    for i in range(n):
        sel.append(cur)
        c = jnp.take_along_axis(xyz, cur[:, None, None], axis=1)  # [B,1,3]
        dist = jnp.minimum(dist, jnp.sum((xyz - c) ** 2, axis=-1))
        cur = jnp.argmax(dist, axis=1).astype(jnp.int32)
    return jnp.stack(sel, axis=1)  # [B, n]


def reference(points, W1, b1, W2, b2, W3, b3):
    B, N, C = points.shape
    M = min(N_SAMPLES, N)
    idx = _fps(points[..., :3], M)  # [B, M]
    sampled = jnp.take_along_axis(points, idx[:, :, None], axis=1)  # [B, M, C]
    h = jax.nn.relu(sampled @ W1.T + b1)
    h = jax.nn.relu(h @ W2.T + b2)
    h = h @ W3.T + b3
    pe = make_pe(D_MODEL, MAX_LEN)
    return h + pe[:M][None]

if __name__ == "__main__":
    import jax
    _d = setup_inputs()
    print(jax.jit(kernel)(*tuple(_d.values())))

</pallas_src>

<mosaic_0001>
#map = affine_map<(d0, d1) -> (0, 0, 0)>
#map1 = affine_map<(d0, d1) -> (0)>
module attributes {stable_mosaic.version = 14 : i64} {
  func.func @fps_kernel(%arg0: i32, %arg1: i32, %arg2: memref<4x4x100000xf32, #tpu.memory_space<hbm>>, %arg3: memref<1024xf32, #tpu.memory_space<hbm>>, %arg4: memref<12544xf32, #tpu.memory_space<vmem>>, %arg5: memref<12544xf32, #tpu.memory_space<vmem>>, %arg6: memref<12544xf32, #tpu.memory_space<vmem>>, %arg7: memref<12544xf32, #tpu.memory_space<vmem>>, %arg8: memref<12544xf32, #tpu.memory_space<vmem>>, %arg9: memref<16xf32, #tpu.memory_space<vmem>>, %arg10: memref<128xf32, #tpu.memory_space<vmem>>, %arg11: memref<256xf32, #tpu.memory_space<vmem>>, %arg12: memref<256xf32, #tpu.memory_space<vmem_shared>>) attributes {dimension_semantics = [#tpu.dimension_semantics<core_parallel>, #tpu.dimension_semantics<subcore_parallel>], iteration_bounds = array<i64: 2, 16>, scalar_prefetch = 0 : i64, scratch_operands = 9 : i64, tpu.core_type = #tpu.core_type<sc_vector_subcore>, window_params = [{transform_indices = #map}, {transform_indices = #map1}]} {
    %mul3A = arith.constant 2 : i32
    %mul3A_0 = arith.muli %arg0, %mul3A : i32
    %jit3A = arith.constant 8 : i32
    %div3A = arith.divsi %arg1, %jit3A : i32
    %sign3A = arith.constant 0 : i32
    %sign3A_1 = arith.cmpi sgt, %arg1, %sign3A : i32
    %sign3A_2 = arith.extui %sign3A_1 : i1 to i32
    %sign3A_3 = arith.constant 0 : i32
    %sign3A_4 = arith.cmpi slt, %arg1, %sign3A_3 : i32
    %sign3A_5 = arith.extui %sign3A_4 : i1 to i32
    %sign3A_6 = arith.subi %sign3A_2, %sign3A_5 : i32
    %sign3A_7 = arith.constant 0 : i32
    %sign3A_8 = arith.cmpi sgt, %jit3A, %sign3A_7 : i32
    %sign3A_9 = arith.extui %sign3A_8 : i1 to i32
    %sign3A_10 = arith.constant 0 : i32
    %sign3A_11 = arith.cmpi slt, %jit3A, %sign3A_10 : i32
    %sign3A_12 = arith.extui %sign3A_11 : i1 to i32
    %sign3A_13 = arith.subi %sign3A_9, %sign3A_12 : i32
    %ne3A = arith.cmpi ne, %sign3A_6, %sign3A_13 : i32
    %rem3A = arith.remsi %arg1, %jit3A : i32
    %ne3A_14 = arith.constant 0 : i32
    %ne3A_15 = arith.cmpi ne, %rem3A, %ne3A_14 : i32
    %and3A = arith.andi %ne3A, %ne3A_15 : i1
    %sub3A = arith.constant 1 : i32
    %sub3A_16 = arith.subi %div3A, %sub3A : i32
    %select_n3A = arith.select %and3A, %sub3A_16, %div3A : i32
    %add3A = arith.addi %mul3A_0, %select_n3A : i32
    %jit3A_17 = arith.constant 8 : i32
    %eq3A = arith.constant 0 : i32
    %eq3A_18 = arith.cmpi eq, %jit3A_17, %eq3A : i32
    %jit3A_19 = arith.constant 1 : i32
    %select_n3A_20 = arith.select %eq3A_18, %jit3A_19, %jit3A_17 : i32
    %rem3A_21 = arith.remsi %arg1, %select_n3A_20 : i32
    %ne3A_22 = arith.constant 0 : i32
    %ne3A_23 = arith.cmpi ne, %rem3A_21, %ne3A_22 : i32
    %lt3A = arith.constant 0 : i32
    %lt3A_24 = arith.cmpi slt, %rem3A_21, %lt3A : i32
    %lt3A_25 = arith.constant 0 : i32
    %lt3A_26 = arith.cmpi slt, %select_n3A_20, %lt3A_25 : i32
    %ne3A_27 = arith.xori %lt3A_24, %lt3A_26 : i1
    %and3A_28 = arith.andi %ne3A_27, %ne3A_23 : i1
    %add3A_29 = arith.addi %rem3A_21, %select_n3A_20 : i32
    %select_n3A_30 = arith.select %and3A_28, %add3A_29, %rem3A_21 : i32
    %mul3A_31 = arith.constant 12544 : i32
    %mul3A_32 = arith.muli %select_n3A_30, %mul3A_31 : i32
    %min3A = arith.constant 87456 : i32
    %min3A_33 = arith.minsi %mul3A_32, %min3A : i32
    %jit3A_34 = arith.constant 128 : i32
    %div3A_35 = arith.divsi %min3A_33, %jit3A_34 : i32
    %sign3A_36 = arith.constant 0 : i32
    %sign3A_37 = arith.cmpi sgt, %min3A_33, %sign3A_36 : i32
    %sign3A_38 = arith.extui %sign3A_37 : i1 to i32
    %sign3A_39 = arith.constant 0 : i32
    %sign3A_40 = arith.cmpi slt, %min3A_33, %sign3A_39 : i32
    %sign3A_41 = arith.extui %sign3A_40 : i1 to i32
    %sign3A_42 = arith.subi %sign3A_38, %sign3A_41 : i32
    %sign3A_43 = arith.constant 0 : i32
    %sign3A_44 = arith.cmpi sgt, %jit3A_34, %sign3A_43 : i32
    %sign3A_45 = arith.extui %sign3A_44 : i1 to i32
    %sign3A_46 = arith.constant 0 : i32
    %sign3A_47 = arith.cmpi slt, %jit3A_34, %sign3A_46 : i32
    %sign3A_48 = arith.extui %sign3A_47 : i1 to i32
    %sign3A_49 = arith.subi %sign3A_45, %sign3A_48 : i32
    %ne3A_50 = arith.cmpi ne, %sign3A_42, %sign3A_49 : i32
    %rem3A_51 = arith.remsi %min3A_33, %jit3A_34 : i32
    %ne3A_52 = arith.constant 0 : i32
    %ne3A_53 = arith.cmpi ne, %rem3A_51, %ne3A_52 : i32
    %and3A_54 = arith.andi %ne3A_50, %ne3A_53 : i1
    %sub3A_55 = arith.constant 1 : i32
    %sub3A_56 = arith.subi %div3A_35, %sub3A_55 : i32
    %select_n3A_57 = arith.select %and3A_54, %sub3A_56, %div3A_35 : i32
    %mul3A_58 = arith.constant 128 : i32
    %mul3A_59 = arith.muli %select_n3A_57, %mul3A_58 : i32
    %iota3A = tpu.iota {dimensions = array<i32: 0>} : vector<16xi32>
    %jit3A_60 = arith.constant 8 : i32
    %div3A_61 = arith.divsi %arg1, %jit3A_60 : i32
    %sign3A_62 = arith.constant 0 : i32
    %sign3A_63 = arith.cmpi sgt, %arg1, %sign3A_62 : i32
    %sign3A_64 = arith.extui %sign3A_63 : i1 to i32
    %sign3A_65 = arith.constant 0 : i32
    %sign3A_66 = arith.cmpi slt, %arg1, %sign3A_65 : i32
    %sign3A_67 = arith.extui %sign3A_66 : i1 to i32
    %sign3A_68 = arith.subi %sign3A_64, %sign3A_67 : i32
    %sign3A_69 = arith.constant 0 : i32
    %sign3A_70 = arith.cmpi sgt, %jit3A_60, %sign3A_69 : i32
    %sign3A_71 = arith.extui %sign3A_70 : i1 to i32
    %sign3A_72 = arith.constant 0 : i32
    %sign3A_73 = arith.cmpi slt, %jit3A_60, %sign3A_72 : i32
    %sign3A_74 = arith.extui %sign3A_73 : i1 to i32
    %sign3A_75 = arith.subi %sign3A_71, %sign3A_74 : i32
    %ne3A_76 = arith.cmpi ne, %sign3A_68, %sign3A_75 : i32
    %rem3A_77 = arith.remsi %arg1, %jit3A_60 : i32
    %ne3A_78 = arith.constant 0 : i32
    %ne3A_79 = arith.cmpi ne, %rem3A_77, %ne3A_78 : i32
    %and3A_80 = arith.andi %ne3A_76, %ne3A_79 : i1
    %sub3A_81 = arith.constant 1 : i32
    %sub3A_82 = arith.subi %div3A_61, %sub3A_81 : i32
    %select_n3A_83 = arith.select %and3A_80, %sub3A_82, %div3A_61 : i32
    %mul3A_84 = arith.constant 8 : i32
    %mul3A_85 = arith.muli %select_n3A_83, %mul3A_84 : i32
    %lt3A_86 = arith.constant 8 : i32
    %lt3A_87 = vector.broadcast %lt3A_86 : i32 to vector<16xi32>
    %lt3A_88 = arith.cmpi slt, %iota3A, %lt3A_87 : vector<16xi32>
    %lt3A_89 = arith.constant 4 : i32
    %lt3A_90 = vector.broadcast %lt3A_89 : i32 to vector<16xi32>
    %lt3A_91 = arith.cmpi slt, %iota3A, %lt3A_90 : vector<16xi32>
    %run_scoped3A = arith.constant 0 : i32
    "tpu.region"() ({
      %run_scoped3A_230 = tpu.sem_alloc : memref<!tpu.dma_semaphore, #tpu.memory_space<semaphore_mem>>
      %dma_start3A = tpu.memref_slice %arg2[%add3A, %run_scoped3A, %mul3A_59] : memref<4x4x100000xf32, #tpu.memory_space<hbm>> -> memref<1x1x12544xf32, #tpu.memory_space<hbm>>
      %dma_start3A_231 = tpu.memref_squeeze %dma_start3A : memref<1x1x12544xf32, #tpu.memory_space<hbm>> -> memref<12544xf32, #tpu.memory_space<hbm>>
      %dma_start3A_232 = tpu.memref_slice %arg2[%add3A, %run_scoped3A, %mul3A_59] : memref<4x4x100000xf32, #tpu.memory_space<hbm>> -> memref<1x1x12544xf32, #tpu.memory_space<hbm>>
      %dma_start3A_233 = tpu.memref_squeeze %dma_start3A_232 : memref<1x1x12544xf32, #tpu.memory_space<hbm>> -> memref<12544xf32, #tpu.memory_space<hbm>>
      tpu.enqueue_dma source(%dma_start3A_233 : memref<12544xf32, #tpu.memory_space<hbm>>) target(%arg4 : memref<12544xf32, #tpu.memory_space<vmem>>) target_semaphore(%run_scoped3A_230 : memref<!tpu.dma_semaphore, #tpu.memory_space<semaphore_mem>>)
      %dma_wait3A = tpu.memref_slice %arg2[%add3A, %run_scoped3A, %mul3A_59] : memref<4x4x100000xf32, #tpu.memory_space<hbm>> -> memref<1x1x12544xf32, #tpu.memory_space<hbm>>
      %dma_wait3A_234 = tpu.memref_squeeze %dma_wait3A : memref<1x1x12544xf32, #tpu.memory_space<hbm>> -> memref<12544xf32, #tpu.memory_space<hbm>>
      %dma_wait3A_235 = tpu.memref_slice %arg2[%add3A, %run_scoped3A, %mul3A_59] : memref<4x4x100000xf32, #tpu.memory_space<hbm>> -> memref<1x1x12544xf32, #tpu.memory_space<hbm>>
      %dma_wait3A_236 = tpu.memref_squeeze %dma_wait3A_235 : memref<1x1x12544xf32, #tpu.memory_space<hbm>> -> memref<12544xf32, #tpu.memory_space<hbm>>
      tpu.wait_dma2 semaphore(%run_scoped3A_230 : memref<!tpu.dma_semaphore, #tpu.memory_space<semaphore_mem>>) src(%dma_wait3A_236 : memref<12544xf32, #tpu.memory_space<hbm>>) dst(%arg4 : memref<12544xf32, #tpu.memory_space<vmem>>)
      tpu.yield
    }) : () -> ()
    %run_scoped3A_92 = arith.constant 1 : i32
    "tpu.region"() ({
      %run_scoped3A_230 = tpu.sem_alloc : memref<!tpu.dma_semaphore, #tpu.memory_space<semaphore_mem>>
      %dma_start3A = tpu.memref_slice %arg2[%add3A, %run_scoped3A_92, %mul3A_59] : memref<4x4x100000xf32, #tpu.memory_space<hbm>> -> memref<1x1x12544xf32, #tpu.memory_space<hbm>>
      %dma_start3A_231 = tpu.memref_squeeze %dma_start3A : memref<1x1x12544xf32, #tpu.memory_space<hbm>> -> memref<12544xf32, #tpu.memory_space<hbm>>
      %dma_start3A_232 = tpu.memref_slice %arg2[%add3A, %run_scoped3A_92, %mul3A_59] : memref<4x4x100000xf32, #tpu.memory_space<hbm>> -> memref<1x1x12544xf32, #tpu.memory_space<hbm>>
      %dma_start3A_233 = tpu.memref_squeeze %dma_start3A_232 : memref<1x1x12544xf32, #tpu.memory_space<hbm>> -> memref<12544xf32, #tpu.memory_space<hbm>>
      tpu.enqueue_dma source(%dma_start3A_233 : memref<12544xf32, #tpu.memory_space<hbm>>) target(%arg5 : memref<12544xf32, #tpu.memory_space<vmem>>) target_semaphore(%run_scoped3A_230 : memref<!tpu.dma_semaphore, #tpu.memory_space<semaphore_mem>>)
      %dma_wait3A = tpu.memref_slice %arg2[%add3A, %run_scoped3A_92, %mul3A_59] : memref<4x4x100000xf32, #tpu.memory_space<hbm>> -> memref<1x1x12544xf32, #tpu.memory_space<hbm>>
      %dma_wait3A_234 = tpu.memref_squeeze %dma_wait3A : memref<1x1x12544xf32, #tpu.memory_space<hbm>> -> memref<12544xf32, #tpu.memory_space<hbm>>
      %dma_wait3A_235 = tpu.memref_slice %arg2[%add3A, %run_scoped3A_92, %mul3A_59] : memref<4x4x100000xf32, #tpu.memory_space<hbm>> -> memref<1x1x12544xf32, #tpu.memory_space<hbm>>
      %dma_wait3A_236 = tpu.memref_squeeze %dma_wait3A_235 : memref<1x1x12544xf32, #tpu.memory_space<hbm>> -> memref<12544xf32, #tpu.memory_space<hbm>>
      tpu.wait_dma2 semaphore(%run_scoped3A_230 : memref<!tpu.dma_semaphore, #tpu.memory_space<semaphore_mem>>) src(%dma_wait3A_236 : memref<12544xf32, #tpu.memory_space<hbm>>) dst(%arg5 : memref<12544xf32, #tpu.memory_space<vmem>>)
      tpu.yield
    }) : () -> ()
    %run_scoped3A_93 = arith.constant 2 : i32
    "tpu.region"() ({
      %run_scoped3A_230 = tpu.sem_alloc : memref<!tpu.dma_semaphore, #tpu.memory_space<semaphore_mem>>
      %dma_start3A = tpu.memref_slice %arg2[%add3A, %run_scoped3A_93, %mul3A_59] : memref<4x4x100000xf32, #tpu.memory_space<hbm>> -> memref<1x1x12544xf32, #tpu.memory_space<hbm>>
      %dma_start3A_231 = tpu.memref_squeeze %dma_start3A : memref<1x1x12544xf32, #tpu.memory_space<hbm>> -> memref<12544xf32, #tpu.memory_space<hbm>>
      %dma_start3A_232 = tpu.memref_slice %arg2[%add3A, %run_scoped3A_93, %mul3A_59] : memref<4x4x100000xf32, #tpu.memory_space<hbm>> -> memref<1x1x12544xf32, #tpu.memory_space<hbm>>
      %dma_start3A_233 = tpu.memref_squeeze %dma_start3A_232 : memref<1x1x12544xf32, #tpu.memory_space<hbm>> -> memref<12544xf32, #tpu.memory_space<hbm>>
      tpu.enqueue_dma source(%dma_start3A_233 : memref<12544xf32, #tpu.memory_space<hbm>>) target(%arg6 : memref<12544xf32, #tpu.memory_space<vmem>>) target_semaphore(%run_scoped3A_230 : memref<!tpu.dma_semaphore, #tpu.memory_space<semaphore_mem>>)
      %dma_wait3A = tpu.memref_slice %arg2[%add3A, %run_scoped3A_93, %mul3A_59] : memref<4x4x100000xf32, #tpu.memory_space<hbm>> -> memref<1x1x12544xf32, #tpu.memory_space<hbm>>
      %dma_wait3A_234 = tpu.memref_squeeze %dma_wait3A : memref<1x1x12544xf32, #tpu.memory_space<hbm>> -> memref<12544xf32, #tpu.memory_space<hbm>>
      %dma_wait3A_235 = tpu.memref_slice %arg2[%add3A, %run_scoped3A_93, %mul3A_59] : memref<4x4x100000xf32, #tpu.memory_space<hbm>> -> memref<1x1x12544xf32, #tpu.memory_space<hbm>>
      %dma_wait3A_236 = tpu.memref_squeeze %dma_wait3A_235 : memref<1x1x12544xf32, #tpu.memory_space<hbm>> -> memref<12544xf32, #tpu.memory_space<hbm>>
      tpu.wait_dma2 semaphore(%run_scoped3A_230 : memref<!tpu.dma_semaphore, #tpu.memory_space<semaphore_mem>>) src(%dma_wait3A_236 : memref<12544xf32, #tpu.memory_space<hbm>>) dst(%arg6 : memref<12544xf32, #tpu.memory_space<vmem>>)
      tpu.yield
    }) : () -> ()
    %run_scoped3A_94 = arith.constant 3 : i32
    "tpu.region"() ({
      %run_scoped3A_230 = tpu.sem_alloc : memref<!tpu.dma_semaphore, #tpu.memory_space<semaphore_mem>>
      %dma_start3A = tpu.memref_slice %arg2[%add3A, %run_scoped3A_94, %mul3A_59] : memref<4x4x100000xf32, #tpu.memory_space<hbm>> -> memref<1x1x12544xf32, #tpu.memory_space<hbm>>
      %dma_start3A_231 = tpu.memref_squeeze %dma_start3A : memref<1x1x12544xf32, #tpu.memory_space<hbm>> -> memref<12544xf32, #tpu.memory_space<hbm>>
      %dma_start3A_232 = tpu.memref_slice %arg2[%add3A, %run_scoped3A_94, %mul3A_59] : memref<4x4x100000xf32, #tpu.memory_space<hbm>> -> memref<1x1x12544xf32, #tpu.memory_space<hbm>>
      %dma_start3A_233 = tpu.memref_squeeze %dma_start3A_232 : memref<1x1x12544xf32, #tpu.memory_space<hbm>> -> memref<12544xf32, #tpu.memory_space<hbm>>
      tpu.enqueue_dma source(%dma_start3A_233 : memref<12544xf32, #tpu.memory_space<hbm>>) target(%arg7 : memref<12544xf32, #tpu.memory_space<vmem>>) target_semaphore(%run_scoped3A_230 : memref<!tpu.dma_semaphore, #tpu.memory_space<semaphore_mem>>)
      %dma_wait3A = tpu.memref_slice %arg2[%add3A, %run_scoped3A_94, %mul3A_59] : memref<4x4x100000xf32, #tpu.memory_space<hbm>> -> memref<1x1x12544xf32, #tpu.memory_space<hbm>>
      %dma_wait3A_234 = tpu.memref_squeeze %dma_wait3A : memref<1x1x12544xf32, #tpu.memory_space<hbm>> -> memref<12544xf32, #tpu.memory_space<hbm>>
      %dma_wait3A_235 = tpu.memref_slice %arg2[%add3A, %run_scoped3A_94, %mul3A_59] : memref<4x4x100000xf32, #tpu.memory_space<hbm>> -> memref<1x1x12544xf32, #tpu.memory_space<hbm>>
      %dma_wait3A_236 = tpu.memref_squeeze %dma_wait3A_235 : memref<1x1x12544xf32, #tpu.memory_space<hbm>> -> memref<12544xf32, #tpu.memory_space<hbm>>
      tpu.wait_dma2 semaphore(%run_scoped3A_230 : memref<!tpu.dma_semaphore, #tpu.memory_space<semaphore_mem>>) src(%dma_wait3A_236 : memref<12544xf32, #tpu.memory_space<hbm>>) dst(%arg7 : memref<12544xf32, #tpu.memory_space<vmem>>)
      tpu.yield
    }) : () -> ()
    %broadcast_in_dim3A = arith.constant 0x7F800000 : f32
    %broadcast_in_dim3A_95 = vector.broadcast %broadcast_in_dim3A : f32 to vector<16xf32>
    %scan3A = arith.constant 0 : i32
    %scan3A_96 = arith.constant 0 : i32
    %scan3A_97 = arith.constant 784 : i32
    %scan3A_98 = arith.addi %scan3A_96, %scan3A_97 : i32
    %scan3A_99 = arith.constant 8 : i32
    %scan3A_100 = scf.for %scan3A_230 = %scan3A_96 to %scan3A_98 step %scan3A_99 iter_args(%scan3A_231 = %scan3A) -> (i32)  : i32 {
      %mul3A_232 = arith.constant 16 : i32
      %mul3A_233 = arith.muli %scan3A_230, %mul3A_232 : i32
      %swap3A_234 = arith.index_cast %mul3A_233 : i32 to index
      %swap3A_235 = tpu.vector_load %arg8[%swap3A_234] {strides = array<i32>} : memref<12544xf32, #tpu.memory_space<vmem>>, vector<16xf32>,
      tpu.vector_store %arg8[%swap3A_234], %broadcast_in_dim3A_95 {strides = array<i32>} : memref<12544xf32, #tpu.memory_space<vmem>>, vector<16xf32>,
      %scan3A_236 = arith.constant 0 : i32
      %scan3A_237 = arith.constant 1 : i32
      %scan3A_238 = arith.addi %scan3A_230, %scan3A_237 : i32
      %mul3A_239 = arith.constant 16 : i32
      %mul3A_240 = arith.muli %scan3A_238, %mul3A_239 : i32
      %swap3A_241 = arith.index_cast %mul3A_240 : i32 to index
      %swap3A_242 = tpu.vector_load %arg8[%swap3A_241] {strides = array<i32>} : memref<12544xf32, #tpu.memory_space<vmem>>, vector<16xf32>,
      tpu.vector_store %arg8[%swap3A_241], %broadcast_in_dim3A_95 {strides = array<i32>} : memref<12544xf32, #tpu.memory_space<vmem>>, vector<16xf32>,
      %scan3A_243 = arith.constant 0 : i32
      %scan3A_244 = arith.constant 2 : i32
      %scan3A_245 = arith.addi %scan3A_230, %scan3A_244 : i32
      %mul3A_246 = arith.constant 16 : i32
      %mul3A_247 = arith.muli %scan3A_245, %mul3A_246 : i32
      %swap3A_248 = arith.index_cast %mul3A_247 : i32 to index
      %swap3A_249 = tpu.vector_load %arg8[%swap3A_248] {strides = array<i32>} : memref<12544xf32, #tpu.memory_space<vmem>>, vector<16xf32>,
      tpu.vector_store %arg8[%swap3A_248], %broadcast_in_dim3A_95 {strides = array<i32>} : memref<12544xf32, #tpu.memory_space<vmem>>, vector<16xf32>,
      %scan3A_250 = arith.constant 0 : i32
      %scan3A_251 = arith.constant 3 : i32
      %scan3A_252 = arith.addi %scan3A_230, %scan3A_251 : i32
      %mul3A_253 = arith.constant 16 : i32
      %mul3A_254 = arith.muli %scan3A_252, %mul3A_253 : i32
      %swap3A_255 = arith.index_cast %mul3A_254 : i32 to index
      %swap3A_256 = tpu.vector_load %arg8[%swap3A_255] {strides = array<i32>} : memref<12544xf32, #tpu.memory_space<vmem>>, vector<16xf32>,
      tpu.vector_store %arg8[%swap3A_255], %broadcast_in_dim3A_95 {strides = array<i32>} : memref<12544xf32, #tpu.memory_space<vmem>>, vector<16xf32>,
      %scan3A_257 = arith.constant 0 : i32
      %scan3A_258 = arith.constant 4 : i32
      %scan3A_259 = arith.addi %scan3A_230, %scan3A_258 : i32
      %mul3A_260 = arith.constant 16 : i32
      %mul3A_261 = arith.muli %scan3A_259, %mul3A_260 : i32
      %swap3A_262 = arith.index_cast %mul3A_261 : i32 to index
      %swap3A_263 = tpu.vector_load %arg8[%swap3A_262] {strides = array<i32>} : memref<12544xf32, #tpu.memory_space<vmem>>, vector<16xf32>,
      tpu.vector_store %arg8[%swap3A_262], %broadcast_in_dim3A_95 {strides = array<i32>} : memref<12544xf32, #tpu.memory_space<vmem>>, vector<16xf32>,
      %scan3A_264 = arith.constant 0 : i32
      %scan3A_265 = arith.constant 5 : i32
      %scan3A_266 = arith.addi %scan3A_230, %scan3A_265 : i32
      %mul3A_267 = arith.constant 16 : i32
      %mul3A_268 = arith.muli %scan3A_266, %mul3A_267 : i32
      %swap3A_269 = arith.index_cast %mul3A_268 : i32 to index
      %swap3A_270 = tpu.vector_load %arg8[%swap3A_269] {strides = array<i32>} : memref<12544xf32, #tpu.memory_space<vmem>>, vector<16xf32>,
      tpu.vector_store %arg8[%swap3A_269], %broadcast_in_dim3A_95 {strides = array<i32>} : memref<12544xf32, #tpu.memory_space<vmem>>, vector<16xf32>,
      %scan3A_271 = arith.constant 0 : i32
      %scan3A_272 = arith.constant 6 : i32
      %scan3A_273 = arith.addi %scan3A_230, %scan3A_272 : i32
      %mul3A_274 = arith.constant 16 : i32
      %mul3A_275 = arith.muli %scan3A_273, %mul3A_274 : i32
      %swap3A_276 = arith.index_cast %mul3A_275 : i32 to index
      %swap3A_277 = tpu.vector_load %arg8[%swap3A_276] {strides = array<i32>} : memref<12544xf32, #tpu.memory_space<vmem>>, vector<16xf32>,
      tpu.vector_store %arg8[%swap3A_276], %broadcast_in_dim3A_95 {strides = array<i32>} : memref<12544xf32, #tpu.memory_space<vmem>>, vector<16xf32>,
      %scan3A_278 = arith.constant 0 : i32
      %scan3A_279 = arith.constant 7 : i32
      %scan3A_280 = arith.addi %scan3A_230, %scan3A_279 : i32
      %mul3A_281 = arith.constant 16 : i32
      %mul3A_282 = arith.muli %scan3A_280, %mul3A_281 : i32
      %swap3A_283 = arith.index_cast %mul3A_282 : i32 to index
      %swap3A_284 = tpu.vector_load %arg8[%swap3A_283] {strides = array<i32>} : memref<12544xf32, #tpu.memory_space<vmem>>, vector<16xf32>,
      tpu.vector_store %arg8[%swap3A_283], %broadcast_in_dim3A_95 {strides = array<i32>} : memref<12544xf32, #tpu.memory_space<vmem>>, vector<16xf32>,
      %scan3A_285 = arith.constant 0 : i32
      scf.yield %scan3A_285 : i32
    }
    %scan3A_101 = arith.constant 784 : i32
    %get3A = arith.constant 0 : index
    %get3A_102 = tpu.vector_load %arg4[%get3A] {strides = array<i32>} : memref<12544xf32, #tpu.memory_space<vmem>>, vector<16xf32>,
    %eq3A_103 = arith.constant 0 : i32
    %eq3A_104 = vector.broadcast %eq3A_103 : i32 to vector<16xi32>
    %eq3A_105 = arith.cmpi eq, %iota3A, %eq3A_104 : vector<16xi32>
    %jit3A_106 = arith.constant 0.000000e+00 : f32
    %broadcast_in_dim3A_107 = vector.broadcast %jit3A_106 : f32 to vector<16xf32>
    %select_n3A_108 = arith.select %eq3A_105, %get3A_102, %broadcast_in_dim3A_107 : vector<16xi1>, vector<16xf32>
    %reduce_sum3A = arith.constant true
    %reduce_sum3A_109 = vector.broadcast %reduce_sum3A : i1 to vector<16xi1>
    %reduce_sum3A_110 = tpu.scan <sum>, %select_n3A_108 masked %reduce_sum3A_109 : vector<16xf32>, vector<16xi1> -> vector<16xf32>
    %reduce_sum3A_111 = vector.extract %reduce_sum3A_110[15] : f32 from vector<16xf32>
    %broadcast_in_dim3A_112 = vector.broadcast %reduce_sum3A_111 : f32 to vector<16xf32>
    %get3A_113 = arith.constant 0 : index
    %get3A_114 = tpu.vector_load %arg5[%get3A_113] {strides = array<i32>} : memref<12544xf32, #tpu.memory_space<vmem>>, vector<16xf32>,
    %eq3A_115 = arith.constant 0 : i32
    %eq3A_116 = vector.broadcast %eq3A_115 : i32 to vector<16xi32>
    %eq3A_117 = arith.cmpi eq, %iota3A, %eq3A_116 : vector<16xi32>
    %jit3A_118 = arith.constant 0.000000e+00 : f32
    %broadcast_in_dim3A_119 = vector.broadcast %jit3A_118 : f32 to vector<16xf32>
    %select_n3A_120 = arith.select %eq3A_117, %get3A_114, %broadcast_in_dim3A_119 : vector<16xi1>, vector<16xf32>
    %reduce_sum3A_121 = arith.constant true
    %reduce_sum3A_122 = vector.broadcast %reduce_sum3A_121 : i1 to vector<16xi1>
    %reduce_sum3A_123 = tpu.scan <sum>, %select_n3A_120 masked %reduce_sum3A_122 : vector<16xf32>, vector<16xi1> -> vector<16xf32>
    %reduce_sum3A_124 = vector.extract %reduce_sum3A_123[15] : f32 from vector<16xf32>
    %broadcast_in_dim3A_125 = vector.broadcast %reduce_sum3A_124 : f32 to vector<16xf32>
    %get3A_126 = arith.constant 0 : index
    %get3A_127 = tpu.vector_load %arg6[%get3A_126] {strides = array<i32>} : memref<12544xf32, #tpu.memory_space<vmem>>, vector<16xf32>,
    %eq3A_128 = arith.constant 0 : i32
    %eq3A_129 = vector.broadcast %eq3A_128 : i32 to vector<16xi32>
    %eq3A_130 = arith.cmpi eq, %iota3A, %eq3A_129 : vector<16xi32>
    %jit3A_131 = arith.constant 0.000000e+00 : f32
    %broadcast_in_dim3A_132 = vector.broadcast %jit3A_131 : f32 to vector<16xf32>
    %select_n3A_133 = arith.select %eq3A_130, %get3A_127, %broadcast_in_dim3A_132 : vector<16xi1>, vector<16xf32>
    %reduce_sum3A_134 = arith.constant true
    %reduce_sum3A_135 = vector.broadcast %reduce_sum3A_134 : i1 to vector<16xi1>
    %reduce_sum3A_136 = tpu.scan <sum>, %select_n3A_133 masked %reduce_sum3A_135 : vector<16xf32>, vector<16xi1> -> vector<16xf32>
    %reduce_sum3A_137 = vector.extract %reduce_sum3A_136[15] : f32 from vector<16xf32>
    %broadcast_in_dim3A_138 = vector.broadcast %reduce_sum3A_137 : f32 to vector<16xf32>
    %get3A_139 = arith.constant 0 : index
    %get3A_140 = tpu.vector_load %arg7[%get3A_139] {strides = array<i32>} : memref<12544xf32, #tpu.memory_space<vmem>>, vector<16xf32>,
    %eq3A_141 = arith.constant 0 : i32
    %eq3A_142 = vector.broadcast %eq3A_141 : i32 to vector<16xi32>
    %eq3A_143 = arith.cmpi eq, %iota3A, %eq3A_142 : vector<16xi32>
    %jit3A_144 = arith.constant 0.000000e+00 : f32
    %broadcast_in_dim3A_145 = vector.broadcast %jit3A_144 : f32 to vector<16xf32>
    %select_n3A_146 = arith.select %eq3A_143, %get3A_140, %broadcast_in_dim3A_145 : vector<16xi1>, vector<16xf32>
    %reduce_sum3A_147 = arith.constant true
    %reduce_sum3A_148 = vector.broadcast %reduce_sum3A_147 : i1 to vector<16xi1>
    %reduce_sum3A_149 = tpu.scan <sum>, %select_n3A_146 masked %reduce_sum3A_148 : vector<16xf32>, vector<16xi1> -> vector<16xf32>
    %reduce_sum3A_150 = vector.extract %reduce_sum3A_149[15] : f32 from vector<16xf32>
    %broadcast_in_dim3A_151 = vector.broadcast %reduce_sum3A_150 : f32 to vector<16xf32>
    %eq3A_152 = arith.constant 0 : i32
    %eq3A_153 = arith.cmpi eq, %select_n3A_30, %eq3A_152 : i32
    %jit3A_154 = arith.constant 0x7F800000 : f32
    %jit3A_155 = arith.constant 0xFF800000 : f32
    %select_n3A_156 = arith.select %eq3A_153, %jit3A_154, %jit3A_155 : f32
    %broadcast_in_dim3A_157 = vector.broadcast %select_n3A_156 : f32 to vector<16xf32>
    %eq3A_158 = arith.constant 0 : i32
    %eq3A_159 = vector.broadcast %eq3A_158 : i32 to vector<16xi32>
    %eq3A_160 = arith.cmpi eq, %iota3A, %eq3A_159 : vector<16xi32>
    %eq3A_161 = arith.constant 1 : i32
    %eq3A_162 = vector.broadcast %eq3A_161 : i32 to vector<16xi32>
    %eq3A_163 = arith.cmpi eq, %iota3A, %eq3A_162 : vector<16xi32>
    %eq3A_164 = arith.constant 2 : i32
    %eq3A_165 = vector.broadcast %eq3A_164 : i32 to vector<16xi32>
    %eq3A_166 = arith.cmpi eq, %iota3A, %eq3A_165 : vector<16xi32>
    %eq3A_167 = arith.constant 3 : i32
    %eq3A_168 = vector.broadcast %eq3A_167 : i32 to vector<16xi32>
    %eq3A_169 = arith.cmpi eq, %iota3A, %eq3A_168 : vector<16xi32>
    %select_n3A_170 = arith.select %eq3A_169, %broadcast_in_dim3A_138, %broadcast_in_dim3A_151 : vector<16xi1>, vector<16xf32>
    %select_n3A_171 = arith.select %eq3A_166, %broadcast_in_dim3A_125, %select_n3A_170 : vector<16xi1>, vector<16xf32>
    %select_n3A_172 = arith.select %eq3A_163, %broadcast_in_dim3A_112, %select_n3A_171 : vector<16xi1>, vector<16xf32>
    %select_n3A_173 = arith.select %eq3A_160, %broadcast_in_dim3A_157, %select_n3A_172 : vector<16xi1>, vector<16xf32>
    %swap3A = arith.constant 0 : index
    %swap3A_174 = tpu.vector_load %arg9[%swap3A] {strides = array<i32>} : memref<16xf32, #tpu.memory_space<vmem>>, vector<16xf32>,
    tpu.vector_store %arg9[%swap3A], %select_n3A_173 {strides = array<i32>} : memref<16xf32, #tpu.memory_space<vmem>>, vector<16xf32>,
    %mul3A_175 = arith.constant 16 : i32
    %mul3A_176 = arith.muli %arg1, %mul3A_175 : i32
    "tpu.region"() ({
      %run_scoped3A_230 = tpu.sem_alloc : memref<!tpu.dma_semaphore, #tpu.memory_space<semaphore_mem>>
      %dma_start3A = tpu.memref_slice %arg12[%mul3A_176] : memref<256xf32, #tpu.memory_space<vmem_shared>> -> memref<16xf32, #tpu.memory_space<vmem_shared>>
      %dma_start3A_231 = tpu.memref_slice %arg12[%mul3A_176] : memref<256xf32, #tpu.memory_space<vmem_shared>> -> memref<16xf32, #tpu.memory_space<vmem_shared>>
      tpu.enqueue_dma source(%arg9 : memref<16xf32, #tpu.memory_space<vmem>>) target(%dma_start3A_231 : memref<16xf32, #tpu.memory_space<vmem_shared>>) target_semaphore(%run_scoped3A_230 : memref<!tpu.dma_semaphore, #tpu.memory_space<semaphore_mem>>)
      %dma_wait3A = tpu.memref_slice %arg12[%mul3A_176] : memref<256xf32, #tpu.memory_space<vmem_shared>> -> memref<16xf32, #tpu.memory_space<vmem_shared>>
      %dma_wait3A_232 = tpu.memref_slice %arg12[%mul3A_176] : memref<256xf32, #tpu.memory_space<vmem_shared>> -> memref<16xf32, #tpu.memory_space<vmem_shared>>
      tpu.wait_dma2 semaphore(%run_scoped3A_230 : memref<!tpu.dma_semaphore, #tpu.memory_space<semaphore_mem>>) src(%arg9 : memref<16xf32, #tpu.memory_space<vmem>>) dst(%dma_wait3A_232 : memref<16xf32, #tpu.memory_space<vmem_shared>>)
      tpu.yield
    }) : () -> ()
    %barrier3A = arith.constant 0 : index
    tpu.barrier barrier_id(%barrier3A)
    %mul3A_177 = arith.constant 16 : i32
    %mul3A_178 = arith.muli %mul3A_85, %mul3A_177 : i32
    "tpu.region"() ({
      %run_scoped3A_230 = tpu.sem_alloc : memref<!tpu.dma_semaphore, #tpu.memory_space<semaphore_mem>>
      %dma_start3A = tpu.memref_slice %arg12[%mul3A_178] : memref<256xf32, #tpu.memory_space<vmem_shared>> -> memref<128xf32, #tpu.memory_space<vmem_shared>>
      %dma_start3A_231 = tpu.memref_slice %arg12[%mul3A_178] : memref<256xf32, #tpu.memory_space<vmem_shared>> -> memref<128xf32, #tpu.memory_space<vmem_shared>>
      tpu.enqueue_dma source(%dma_start3A_231 : memref<128xf32, #tpu.memory_space<vmem_shared>>) target(%arg10 : memref<128xf32, #tpu.memory_space<vmem>>) target_semaphore(%run_scoped3A_230 : memref<!tpu.dma_semaphore, #tpu.memory_space<semaphore_mem>>)
      %dma_wait3A = tpu.memref_slice %arg12[%mul3A_178] : memref<256xf32, #tpu.memory_space<vmem_shared>> -> memref<128xf32, #tpu.memory_space<vmem_shared>>
      %dma_wait3A_232 = tpu.memref_slice %arg12[%mul3A_178] : memref<256xf32, #tpu.memory_space<vmem_shared>> -> memref<128xf32, #tpu.memory_space<vmem_shared>>
      tpu.wait_dma2 semaphore(%run_scoped3A_230 : memref<!tpu.dma_semaphore, #tpu.memory_space<semaphore_mem>>) src(%dma_wait3A_232 : memref<128xf32, #tpu.memory_space<vmem_shared>>) dst(%arg10 : memref<128xf32, #tpu.memory_space<vmem>>)
      tpu.yield
    }) : () -> ()
    %mul3A_179 = arith.constant 16 : i32
    %mul3A_180 = vector.broadcast %mul3A_179 : i32 to vector<16xi32>
    %mul3A_181 = arith.muli %iota3A, %mul3A_180 : vector<16xi32>
    %gather3A = tpu.vector_load_idx %arg10[%mul3A_181] masked %lt3A_88 : memref<128xf32, #tpu.memory_space<vmem>>[vector<16xi32>], vector<16xf32>, vector<16xi1>
    %jit3A_182 = arith.constant 0xFF800000 : f32
    %broadcast_in_dim3A_183 = vector.broadcast %jit3A_182 : f32 to vector<16xf32>
    %select_n3A_184 = arith.select %lt3A_88, %gather3A, %broadcast_in_dim3A_183 : vector<16xi1>, vector<16xf32>
    %reduce_max3A = arith.constant true
    %reduce_max3A_185 = vector.broadcast %reduce_max3A : i1 to vector<16xi1>
    %reduce_max3A_186 = tpu.scan <max>, %select_n3A_184 masked %reduce_max3A_185 : vector<16xf32>, vector<16xi1> -> vector<16xf32>
    %reduce_max3A_187 = vector.extract %reduce_max3A_186[15] : f32 from vector<16xf32>
    %eq3A_188 = vector.broadcast %reduce_max3A_187 : f32 to vector<16xf32>
    %eq3A_189 = arith.cmpf oeq, %select_n3A_184, %eq3A_188 : vector<16xf32>
    %jit3A_190 = arith.constant 64 : i32
    %broadcast_in_dim3A_191 = vector.broadcast %jit3A_190 : i32 to vector<16xi32>
    %select_n3A_192 = arith.select %eq3A_189, %iota3A, %broadcast_in_dim3A_191 : vector<16xi1>, vector<16xi32>
    %reduce_min3A = arith.constant true
    %reduce_min3A_193 = vector.broadcast %reduce_min3A : i1 to vector<16xi1>
    %reduce_min3A_194 = arith.constant -2147483648 : i32
    %reduce_min3A_195 = vector.broadcast %reduce_min3A_194 : i32 to vector<16xi32>
    %reduce_min3A_196 = arith.xori %select_n3A_192, %reduce_min3A_195 : vector<16xi32>
    %reduce_min3A_197 = tpu.scan <min>, %reduce_min3A_196 masked %reduce_min3A_193 : vector<16xi32>, vector<16xi1> -> vector<16xi32>
    %reduce_min3A_198 = arith.xori %reduce_min3A_197, %reduce_min3A_195 : vector<16xi32>
    %reduce_min3A_199 = vector.extract %reduce_min3A_198[15] : i32 from vector<16xi32>
    %mul3A_200 = arith.constant 16 : i32
    %mul3A_201 = arith.muli %reduce_min3A_199, %mul3A_200 : i32
    %broadcast_in_dim3A_202 = vector.broadcast %mul3A_201 : i32 to vector<16xi32>
    %add3A_203 = arith.constant 1 : i32
    %add3A_204 = vector.broadcast %add3A_203 : i32 to vector<16xi32>
    %add3A_205 = arith.addi %broadcast_in_dim3A_202, %add3A_204 : vector<16xi32>
    %gather3A_206 = tpu.vector_load_idx %arg10[%add3A_205] : memref<128xf32, #tpu.memory_space<vmem>>[vector<16xi32>], vector<16xf32>,
    %add3A_207 = arith.constant 2 : i32
    %add3A_208 = vector.broadcast %add3A_207 : i32 to vector<16xi32>
    %add3A_209 = arith.addi %broadcast_in_dim3A_202, %add3A_208 : vector<16xi32>
    %gather3A_210 = tpu.vector_load_idx %arg10[%add3A_209] : memref<128xf32, #tpu.memory_space<vmem>>[vector<16xi32>], vector<16xf32>,
    %add3A_211 = arith.constant 3 : i32
    %add3A_212 = vector.broadcast %add3A_211 : i32 to vector<16xi32>
    %add3A_213 = arith.addi %broadcast_in_dim3A_202, %add3A_212 : vector<16xi32>
    %gather3A_214 = tpu.vector_load_idx %arg10[%add3A_213] : memref<128xf32, #tpu.memory_space<vmem>>[vector<16xi32>], vector<16xf32>,
    %eq3A_215 = arith.constant 0 : i32
    %eq3A_216 = arith.cmpi eq, %select_n3A_30, %eq3A_215 : i32
    %convert_element_type3A = arith.extui %eq3A_216 : i1 to i32
    %cond3A = arith.constant 0 : i32
    %cond3A_217 = arith.constant 0 : i32
    %cond3A_218 = arith.cmpi ne, %convert_element_type3A, %cond3A_217 : i32
    scf.if %cond3A_218 {
      %add3A_230 = arith.constant 1 : i32
      %add3A_231 = vector.broadcast %add3A_230 : i32 to vector<16xi32>
      %add3A_232 = arith.addi %broadcast_in_dim3A_202, %add3A_231 : vector<16xi32>
      %add3A_233 = arith.addi %add3A_232, %iota3A : vector<16xi32>
      %gather3A_234 = tpu.vector_load_idx %arg10[%add3A_233] masked %lt3A_91 : memref<128xf32, #tpu.memory_space<vmem>>[vector<16xi32>], vector<16xf32>, vector<16xi1>
      %mul3A_235 = arith.constant 4 : i32
      %mul3A_236 = arith.muli %cond3A, %mul3A_235 : i32
      %add3A_237 = vector.broadcast %mul3A_236 : i32 to vector<16xi32>
      %add3A_238 = arith.addi %add3A_237, %iota3A : vector<16xi32>
      tpu.vector_store_idx %arg11[%add3A_238], %gather3A_234 masked %lt3A_91 : memref<256xf32, #tpu.memory_space<vmem>>[vector<16xi32>], vector<16xf32>, vector<16xi1>
    } else {
    }
    %scan3A_219 = arith.constant 0 : i32
    %scan3A_220 = arith.constant 63 : i32
    %scan3A_221 = arith.addi %scan3A_219, %scan3A_220 : i32
    %scan3A_222 = arith.constant 1 : i32
    %scan3A_223:3 = scf.for %scan3A_230 = %scan3A_219 to %scan3A_221 step %scan3A_222 iter_args(%scan3A_231 = %gather3A_206, %scan3A_232 = %gather3A_210, %scan3A_233 = %gather3A_214) -> (vector<16xf32>, vector<16xf32>, vector<16xf32>)  : i32 {
      %broadcast_in_dim3A_234 = arith.constant 0xFF800000 : f32
      %broadcast_in_dim3A_235 = vector.broadcast %broadcast_in_dim3A_234 : f32 to vector<16xf32>
      %parallel_loop3A = arith.constant 0 : i32
      %parallel_loop3A_236 = arith.constant 784 : i32
      %parallel_loop3A_237 = arith.constant 1 : i32
      %parallel_loop3A_238:2 = scf.for %parallel_loop3A_331 = %parallel_loop3A to %parallel_loop3A_236 step %parallel_loop3A_237 iter_args(%parallel_loop3A_332 = %broadcast_in_dim3A_235, %parallel_loop3A_333 = %iota3A) -> (vector<16xf32>, vector<16xi32>)  : i32 {
        %parallel_loop3A_334 = arith.constant 16 : i32
        %parallel_loop3A_335 = arith.muli %parallel_loop3A_331, %parallel_loop3A_334 : i32
        %parallel_loop3A_336 = arith.index_cast %parallel_loop3A_335 : i32 to index
        %parallel_loop3A_337 = tpu.vector_load %arg4[%parallel_loop3A_336] {strides = array<i32>} : memref<12544xf32, #tpu.memory_space<vmem>>, vector<16xf32>,
        %parallel_loop3A_338 = arith.subf %parallel_loop3A_337, %scan3A_231 : vector<16xf32>
        %parallel_loop3A_339 = arith.index_cast %parallel_loop3A_335 : i32 to index
        %parallel_loop3A_340 = tpu.vector_load %arg5[%parallel_loop3A_339] {strides = array<i32>} : memref<12544xf32, #tpu.memory_space<vmem>>, vector<16xf32>,
        %parallel_loop3A_341 = arith.subf %parallel_loop3A_340, %scan3A_232 : vector<16xf32>
        %parallel_loop3A_342 = arith.index_cast %parallel_loop3A_335 : i32 to index
        %parallel_loop3A_343 = tpu.vector_load %arg6[%parallel_loop3A_342] {strides = array<i32>} : memref<12544xf32, #tpu.memory_space<vmem>>, vector<16xf32>,
        %parallel_loop3A_344 = arith.subf %parallel_loop3A_343, %scan3A_233 : vector<16xf32>
        %parallel_loop3A_345 = arith.mulf %parallel_loop3A_338, %parallel_loop3A_338 : vector<16xf32>
        %parallel_loop3A_346 = arith.mulf %parallel_loop3A_341, %parallel_loop3A_341 : vector<16xf32>
        %parallel_loop3A_347 = arith.addf %parallel_loop3A_345, %parallel_loop3A_346 : vector<16xf32>
        %parallel_loop3A_348 = arith.mulf %parallel_loop3A_344, %parallel_loop3A_344 : vector<16xf32>
        %parallel_loop3A_349 = arith.addf %parallel_loop3A_347, %parallel_loop3A_348 : vector<16xf32>
        %parallel_loop3A_350 = arith.index_cast %parallel_loop3A_335 : i32 to index
        %parallel_loop3A_351 = tpu.vector_load %arg8[%parallel_loop3A_350] {strides = array<i32>} : memref<12544xf32, #tpu.memory_space<vmem>>, vector<16xf32>,
        %parallel_loop3A_352 = arith.minimumf %parallel_loop3A_351, %parallel_loop3A_349 : vector<16xf32>
        %parallel_loop3A_353 = arith.index_cast %parallel_loop3A_335 : i32 to index
        %parallel_loop3A_354 = tpu.vector_load %arg8[%parallel_loop3A_353] {strides = array<i32>} : memref<12544xf32, #tpu.memory_space<vmem>>, vector<16xf32>,
        tpu.vector_store %arg8[%parallel_loop3A_353], %parallel_loop3A_352 {strides = array<i32>} : memref<12544xf32, #tpu.memory_space<vmem>>, vector<16xf32>,
        %parallel_loop3A_355 = arith.cmpf ogt, %parallel_loop3A_352, %parallel_loop3A_332 : vector<16xf32>
        %parallel_loop3A_356 = arith.select %parallel_loop3A_355, %parallel_loop3A_352, %parallel_loop3A_332 : vector<16xi1>, vector<16xf32>
        %parallel_loop3A_357 = vector.broadcast %parallel_loop3A_335 : i32 to vector<16xi32>
        %parallel_loop3A_358 = arith.addi %parallel_loop3A_357, %iota3A : vector<16xi32>
        %parallel_loop3A_359 = arith.select %parallel_loop3A_355, %parallel_loop3A_358, %parallel_loop3A_333 : vector<16xi1>, vector<16xi32>
        scf.yield %parallel_loop3A_356, %parallel_loop3A_359 : vector<16xf32>, vector<16xi32>
      } {sc.loop_unroll_factor = 8 : i64, sc.parallel_access}
      %reduce_max3A_239 = arith.constant true
      %reduce_max3A_240 = vector.broadcast %reduce_max3A_239 : i1 to vector<16xi1>
      %reduce_max3A_241 = tpu.scan <max>, %parallel_loop3A_238#0 masked %reduce_max3A_240 : vector<16xf32>, vector<16xi1> -> vector<16xf32>
      %reduce_max3A_242 = vector.extract %reduce_max3A_241[15] : f32 from vector<16xf32>
      %eq3A_243 = vector.broadcast %reduce_max3A_242 : f32 to vector<16xf32>
      %eq3A_244 = arith.cmpf oeq, %parallel_loop3A_238#0, %eq3A_243 : vector<16xf32>
      %jit3A_245 = arith.constant 1073741824 : i32
      %broadcast_in_dim3A_246 = vector.broadcast %jit3A_245 : i32 to vector<16xi32>
      %select_n3A_247 = arith.select %eq3A_244, %parallel_loop3A_238#1, %broadcast_in_dim3A_246 : vector<16xi1>, vector<16xi32>
      %reduce_min3A_248 = arith.constant true
      %reduce_min3A_249 = vector.broadcast %reduce_min3A_248 : i1 to vector<16xi1>
      %reduce_min3A_250 = arith.constant -2147483648 : i32
      %reduce_min3A_251 = vector.broadcast %reduce_min3A_250 : i32 to vector<16xi32>
      %reduce_min3A_252 = arith.xori %select_n3A_247, %reduce_min3A_251 : vector<16xi32>
      %reduce_min3A_253 = tpu.scan <min>, %reduce_min3A_252 masked %reduce_min3A_249 : vector<16xi32>, vector<16xi1> -> vector<16xi32>
      %reduce_min3A_254 = arith.xori %reduce_min3A_253, %reduce_min3A_251 : vector<16xi32>
      %reduce_min3A_255 = vector.extract %reduce_min3A_254[15] : i32 from vector<16xi32>
      %broadcast_in_dim3A_256 = vector.broadcast %reduce_min3A_255 : i32 to vector<16xi32>
      %gather3A_257 = tpu.vector_load_idx %arg4[%broadcast_in_dim3A_256] : memref<12544xf32, #tpu.memory_space<vmem>>[vector<16xi32>], vector<16xf32>,
      %gather3A_258 = tpu.vector_load_idx %arg5[%broadcast_in_dim3A_256] : memref<12544xf32, #tpu.memory_space<vmem>>[vector<16xi32>], vector<16xf32>,
      %gather3A_259 = tpu.vector_load_idx %arg6[%broadcast_in_dim3A_256] : memref<12544xf32, #tpu.memory_space<vmem>>[vector<16xi32>], vector<16xf32>,
      %gather3A_260 = tpu.vector_load_idx %arg7[%broadcast_in_dim3A_256] : memref<12544xf32, #tpu.memory_space<vmem>>[vector<16xi32>], vector<16xf32>,
      %broadcast_in_dim3A_261 = vector.broadcast %reduce_max3A_242 : f32 to vector<16xf32>
      %eq3A_262 = arith.constant 0 : i32
      %eq3A_263 = vector.broadcast %eq3A_262 : i32 to vector<16xi32>
      %eq3A_264 = arith.cmpi eq, %iota3A, %eq3A_263 : vector<16xi32>
      %eq3A_265 = arith.constant 1 : i32
      %eq3A_266 = vector.broadcast %eq3A_265 : i32 to vector<16xi32>
      %eq3A_267 = arith.cmpi eq, %iota3A, %eq3A_266 : vector<16xi32>
      %eq3A_268 = arith.constant 2 : i32
      %eq3A_269 = vector.broadcast %eq3A_268 : i32 to vector<16xi32>
      %eq3A_270 = arith.cmpi eq, %iota3A, %eq3A_269 : vector<16xi32>
      %eq3A_271 = arith.constant 3 : i32
      %eq3A_272 = vector.broadcast %eq3A_271 : i32 to vector<16xi32>
      %eq3A_273 = arith.cmpi eq, %iota3A, %eq3A_272 : vector<16xi32>
      %select_n3A_274 = arith.select %eq3A_273, %gather3A_259, %gather3A_260 : vector<16xi1>, vector<16xf32>
      %select_n3A_275 = arith.select %eq3A_270, %gather3A_258, %select_n3A_274 : vector<16xi1>, vector<16xf32>
      %select_n3A_276 = arith.select %eq3A_267, %gather3A_257, %select_n3A_275 : vector<16xi1>, vector<16xf32>
      %select_n3A_277 = arith.select %eq3A_264, %broadcast_in_dim3A_261, %select_n3A_276 : vector<16xi1>, vector<16xf32>
      %add3A_278 = arith.constant 1 : i32
      %add3A_279 = arith.addi %scan3A_230, %add3A_278 : i32
      %swap3A_280 = arith.constant 0 : index
      %swap3A_281 = tpu.vector_load %arg9[%swap3A_280] {strides = array<i32>} : memref<16xf32, #tpu.memory_space<vmem>>, vector<16xf32>,
      tpu.vector_store %arg9[%swap3A_280], %select_n3A_277 {strides = array<i32>} : memref<16xf32, #tpu.memory_space<vmem>>, vector<16xf32>,
      %mul3A_282 = arith.constant 16 : i32
      %mul3A_283 = arith.muli %arg1, %mul3A_282 : i32
      "tpu.region"() ({
        %run_scoped3A_331 = tpu.sem_alloc : memref<!tpu.dma_semaphore, #tpu.memory_space<semaphore_mem>>
        %dma_start3A = tpu.memref_slice %arg12[%mul3A_283] : memref<256xf32, #tpu.memory_space<vmem_shared>> -> memref<16xf32, #tpu.memory_space<vmem_shared>>
        %dma_start3A_332 = tpu.memref_slice %arg12[%mul3A_283] : memref<256xf32, #tpu.memory_space<vmem_shared>> -> memref<16xf32, #tpu.memory_space<vmem_shared>>
        tpu.enqueue_dma source(%arg9 : memref<16xf32, #tpu.memory_space<vmem>>) target(%dma_start3A_332 : memref<16xf32, #tpu.memory_space<vmem_shared>>) target_semaphore(%run_scoped3A_331 : memref<!tpu.dma_semaphore, #tpu.memory_space<semaphore_mem>>)
        %dma_wait3A = tpu.memref_slice %arg12[%mul3A_283] : memref<256xf32, #tpu.memory_space<vmem_shared>> -> memref<16xf32, #tpu.memory_space<vmem_shared>>
        %dma_wait3A_333 = tpu.memref_slice %arg12[%mul3A_283] : memref<256xf32, #tpu.memory_space<vmem_shared>> -> memref<16xf32, #tpu.memory_space<vmem_shared>>
        tpu.wait_dma2 semaphore(%run_scoped3A_331 : memref<!tpu.dma_semaphore, #tpu.memory_space<semaphore_mem>>) src(%arg9 : memref<16xf32, #tpu.memory_space<vmem>>) dst(%dma_wait3A_333 : memref<16xf32, #tpu.memory_space<vmem_shared>>)
        tpu.yield
      }) : () -> ()
      %barrier3A_284 = arith.constant 0 : index
      tpu.barrier barrier_id(%barrier3A_284)
      %mul3A_285 = arith.constant 16 : i32
      %mul3A_286 = arith.muli %mul3A_85, %mul3A_285 : i32
      "tpu.region"() ({
        %run_scoped3A_331 = tpu.sem_alloc : memref<!tpu.dma_semaphore, #tpu.memory_space<semaphore_mem>>
        %dma_start3A = tpu.memref_slice %arg12[%mul3A_286] : memref<256xf32, #tpu.memory_space<vmem_shared>> -> memref<128xf32, #tpu.memory_space<vmem_shared>>
        %dma_start3A_332 = tpu.memref_slice %arg12[%mul3A_286] : memref<256xf32, #tpu.memory_space<vmem_shared>> -> memref<128xf32, #tpu.memory_space<vmem_shared>>
        tpu.enqueue_dma source(%dma_start3A_332 : memref<128xf32, #tpu.memory_space<vmem_shared>>) target(%arg10 : memref<128xf32, #tpu.memory_space<vmem>>) target_semaphore(%run_scoped3A_331 : memref<!tpu.dma_semaphore, #tpu.memory_space<semaphore_mem>>)
        %dma_wait3A = tpu.memref_slice %arg12[%mul3A_286] : memref<256xf32, #tpu.memory_space<vmem_shared>> -> memref<128xf32, #tpu.memory_space<vmem_shared>>
        %dma_wait3A_333 = tpu.memref_slice %arg12[%mul3A_286] : memref<256xf32, #tpu.memory_space<vmem_shared>> -> memref<128xf32, #tpu.memory_space<vmem_shared>>
        tpu.wait_dma2 semaphore(%run_scoped3A_331 : memref<!tpu.dma_semaphore, #tpu.memory_space<semaphore_mem>>) src(%dma_wait3A_333 : memref<128xf32, #tpu.memory_space<vmem_shared>>) dst(%arg10 : memref<128xf32, #tpu.memory_space<vmem>>)
        tpu.yield
      }) : () -> ()
      %mul3A_287 = arith.constant 16 : i32
      %mul3A_288 = vector.broadcast %mul3A_287 : i32 to vector<16xi32>
      %mul3A_289 = arith.muli %iota3A, %mul3A_288 : vector<16xi32>
      %gather3A_290 = tpu.vector_load_idx %arg10[%mul3A_289] masked %lt3A_88 : memref<128xf32, #tpu.memory_space<vmem>>[vector<16xi32>], vector<16xf32>, vector<16xi1>
      %jit3A_291 = arith.constant 0xFF800000 : f32
      %broadcast_in_dim3A_292 = vector.broadcast %jit3A_291 : f32 to vector<16xf32>
      %select_n3A_293 = arith.select %lt3A_88, %gather3A_290, %broadcast_in_dim3A_292 : vector<16xi1>, vector<16xf32>
      %reduce_max3A_294 = arith.constant true
      %reduce_max3A_295 = vector.broadcast %reduce_max3A_294 : i1 to vector<16xi1>
      %reduce_max3A_296 = tpu.scan <max>, %select_n3A_293 masked %reduce_max3A_295 : vector<16xf32>, vector<16xi1> -> vector<16xf32>
      %reduce_max3A_297 = vector.extract %reduce_max3A_296[15] : f32 from vector<16xf32>
      %eq3A_298 = vector.broadcast %reduce_max3A_297 : f32 to vector<16xf32>
      %eq3A_299 = arith.cmpf oeq, %select_n3A_293, %eq3A_298 : vector<16xf32>
      %jit3A_300 = arith.constant 64 : i32
      %broadcast_in_dim3A_301 = vector.broadcast %jit3A_300 : i32 to vector<16xi32>
      %select_n3A_302 = arith.select %eq3A_299, %iota3A, %broadcast_in_dim3A_301 : vector<16xi1>, vector<16xi32>
      %reduce_min3A_303 = arith.constant true
      %reduce_min3A_304 = vector.broadcast %reduce_min3A_303 : i1 to vector<16xi1>
      %reduce_min3A_305 = arith.constant -2147483648 : i32
      %reduce_min3A_306 = vector.broadcast %reduce_min3A_305 : i32 to vector<16xi32>
      %reduce_min3A_307 = arith.xori %select_n3A_302, %reduce_min3A_306 : vector<16xi32>
      %reduce_min3A_308 = tpu.scan <min>, %reduce_min3A_307 masked %reduce_min3A_304 : vector<16xi32>, vector<16xi1> -> vector<16xi32>
      %reduce_min3A_309 = arith.xori %reduce_min3A_308, %reduce_min3A_306 : vector<16xi32>
      %reduce_min3A_310 = vector.extract %reduce_min3A_309[15] : i32 from vector<16xi32>
      %mul3A_311 = arith.constant 16 : i32
      %mul3A_312 = arith.muli %reduce_min3A_310, %mul3A_311 : i32
      %broadcast_in_dim3A_313 = vector.broadcast %mul3A_312 : i32 to vector<16xi32>
      %add3A_314 = arith.constant 1 : i32
      %add3A_315 = vector.broadcast %add3A_314 : i32 to vector<16xi32>
      %add3A_316 = arith.addi %broadcast_in_dim3A_313, %add3A_315 : vector<16xi32>
      %gather3A_317 = tpu.vector_load_idx %arg10[%add3A_316] : memref<128xf32, #tpu.memory_space<vmem>>[vector<16xi32>], vector<16xf32>,
      %add3A_318 = arith.constant 2 : i32
      %add3A_319 = vector.broadcast %add3A_318 : i32 to vector<16xi32>
      %add3A_320 = arith.addi %broadcast_in_dim3A_313, %add3A_319 : vector<16xi32>
      %gather3A_321 = tpu.vector_load_idx %arg10[%add3A_320] : memref<128xf32, #tpu.memory_space<vmem>>[vector<16xi32>], vector<16xf32>,
      %add3A_322 = arith.constant 3 : i32
      %add3A_323 = vector.broadcast %add3A_322 : i32 to vector<16xi32>
      %add3A_324 = arith.addi %broadcast_in_dim3A_313, %add3A_323 : vector<16xi32>
      %gather3A_325 = tpu.vector_load_idx %arg10[%add3A_324] : memref<128xf32, #tpu.memory_space<vmem>>[vector<16xi32>], vector<16xf32>,
      %eq3A_326 = arith.constant 0 : i32
      %eq3A_327 = arith.cmpi eq, %select_n3A_30, %eq3A_326 : i32
      %convert_element_type3A_328 = arith.extui %eq3A_327 : i1 to i32
      %cond3A_329 = arith.constant 0 : i32
      %cond3A_330 = arith.cmpi ne, %convert_element_type3A_328, %cond3A_329 : i32
      scf.if %cond3A_330 {
        %add3A_331 = arith.constant 1 : i32
        %add3A_332 = vector.broadcast %add3A_331 : i32 to vector<16xi32>
        %add3A_333 = arith.addi %broadcast_in_dim3A_313, %add3A_332 : vector<16xi32>
        %add3A_334 = arith.addi %add3A_333, %iota3A : vector<16xi32>
        %gather3A_335 = tpu.vector_load_idx %arg10[%add3A_334] masked %lt3A_91 : memref<128xf32, #tpu.memory_space<vmem>>[vector<16xi32>], vector<16xf32>, vector<16xi1>
        %mul3A_336 = arith.constant 4 : i32
        %mul3A_337 = arith.muli %add3A_279, %mul3A_336 : i32
        %add3A_338 = vector.broadcast %mul3A_337 : i32 to vector<16xi32>
        %add3A_339 = arith.addi %add3A_338, %iota3A : vector<16xi32>
        tpu.vector_store_idx %arg11[%add3A_339], %gather3A_335 masked %lt3A_91 : memref<256xf32, #tpu.memory_space<vmem>>[vector<16xi32>], vector<16xf32>, vector<16xi1>
      } else {
      }
      scf.yield %gather3A_317, %gather3A_321, %gather3A_325 : vector<16xf32>, vector<16xf32>, vector<16xf32>
    }
    %scan3A_224 = arith.constant 63 : i32
    %eq3A_225 = arith.constant 0 : i32
    %eq3A_226 = arith.cmpi eq, %select_n3A_30, %eq3A_225 : i32
    %convert_element_type3A_227 = arith.extui %eq3A_226 : i1 to i32
    %cond3A_228 = arith.constant 0 : i32
    %cond3A_229 = arith.cmpi ne, %convert_element_type3A_227, %cond3A_228 : i32
    scf.if %cond3A_229 {
      %mul3A_230 = arith.constant 256 : i32
      %mul3A_231 = arith.muli %add3A, %mul3A_230 : i32
      "tpu.region"() ({
        %run_scoped3A_232 = tpu.sem_alloc : memref<!tpu.dma_semaphore, #tpu.memory_space<semaphore_mem>>
        %dma_start3A = tpu.memref_slice %arg3[%mul3A_231] : memref<1024xf32, #tpu.memory_space<hbm>> -> memref<256xf32, #tpu.memory_space<hbm>>
        %dma_start3A_233 = tpu.memref_slice %arg3[%mul3A_231] : memref<1024xf32, #tpu.memory_space<hbm>> -> memref<256xf32, #tpu.memory_space<hbm>>
        tpu.enqueue_dma source(%arg11 : memref<256xf32, #tpu.memory_space<vmem>>) target(%dma_start3A_233 : memref<256xf32, #tpu.memory_space<hbm>>) target_semaphore(%run_scoped3A_232 : memref<!tpu.dma_semaphore, #tpu.memory_space<semaphore_mem>>)
        %dma_wait3A = tpu.memref_slice %arg3[%mul3A_231] : memref<1024xf32, #tpu.memory_space<hbm>> -> memref<256xf32, #tpu.memory_space<hbm>>
        %dma_wait3A_234 = tpu.memref_slice %arg3[%mul3A_231] : memref<1024xf32, #tpu.memory_space<hbm>> -> memref<256xf32, #tpu.memory_space<hbm>>
        tpu.wait_dma2 semaphore(%run_scoped3A_232 : memref<!tpu.dma_semaphore, #tpu.memory_space<semaphore_mem>>) src(%arg11 : memref<256xf32, #tpu.memory_space<vmem>>) dst(%dma_wait3A_234 : memref<256xf32, #tpu.memory_space<hbm>>)
        tpu.yield
      }) : () -> ()
    } else {
    }
    return
  }
}

module attributes {stable_mosaic.version = 14 : i64} {
  func.func @_mlp_body(%arg0: memref<256x4xf32, #tpu.memory_space<vmem>>, %arg1: memref<4x64xf32, #tpu.memory_space<vmem>>, %arg2: memref<1x64xf32, #tpu.memory_space<vmem>>, %arg3: memref<64x128xf32, #tpu.memory_space<vmem>>, %arg4: memref<1x128xf32, #tpu.memory_space<vmem>>, %arg5: memref<128x256xf32, #tpu.memory_space<vmem>>, %arg6: memref<1x256xf32, #tpu.memory_space<vmem>>, %arg7: memref<256x256xf32, #tpu.memory_space<vmem>>, %arg8: memref<256x256xf32, #tpu.memory_space<vmem>>) attributes {dimension_semantics = [], scalar_prefetch = 0 : i64, scratch_operands = 0 : i64, tpu.core_type = #tpu.core_type<tc>} {
    %get3A = arith.constant 0 : index
    %get3A_0 = arith.constant 0 : index
    %get3A_1 = vector.load %arg0[%get3A, %get3A_0] : memref<256x4xf32, #tpu.memory_space<vmem>>, vector<256x4xf32>
    %get3A_2 = arith.constant 0 : index
    %get3A_3 = arith.constant 0 : index
    %get3A_4 = vector.load %arg1[%get3A_2, %get3A_3] : memref<4x64xf32, #tpu.memory_space<vmem>>, vector<4x64xf32>
    %dot_general3A = arith.constant dense<0.000000e+00> : vector<256x64xf32>
    %dot_general3A_5 = tpu.matmul %get3A_1, %get3A_4, %dot_general3A {dimension_numbers = #tpu.dot_dimension_numbers<[1], [0], [0], [1], [0, 0, 1, 1], [], []>, transpose_lhs_hint = false} : vector<256x4xf32>, vector<4x64xf32>, vector<256x64xf32> -> vector<256x64xf32>
    %get3A_6 = arith.constant 0 : index
    %get3A_7 = arith.constant 0 : index
    %get3A_8 = vector.load %arg2[%get3A_6, %get3A_7] : memref<1x64xf32, #tpu.memory_space<vmem>>, vector<1x64xf32>
    %add3A = vector.broadcast %get3A_8 : vector<1x64xf32> to vector<256x64xf32>
    %add3A_9 = arith.addf %dot_general3A_5, %add3A : vector<256x64xf32>
    %max3A = arith.constant 0.000000e+00 : f32
    %max3A_10 = vector.broadcast %max3A : f32 to vector<256x64xf32>
    %max3A_11 = arith.maximumf %add3A_9, %max3A_10 : vector<256x64xf32>
    %get3A_12 = arith.constant 0 : index
    %get3A_13 = arith.constant 0 : index
    %get3A_14 = vector.load %arg3[%get3A_12, %get3A_13] : memref<64x128xf32, #tpu.memory_space<vmem>>, vector<64x128xf32>
    %dot_general3A_15 = arith.constant dense<0.000000e+00> : vector<256x128xf32>
    %dot_general3A_16 = tpu.matmul %max3A_11, %get3A_14, %dot_general3A_15 {dimension_numbers = #tpu.dot_dimension_numbers<[1], [0], [0], [1], [0, 0, 1, 1], [], []>, transpose_lhs_hint = false} : vector<256x64xf32>, vector<64x128xf32>, vector<256x128xf32> -> vector<256x128xf32>
    %get3A_17 = arith.constant 0 : index
    %get3A_18 = arith.constant 0 : index
    %get3A_19 = vector.load %arg4[%get3A_17, %get3A_18] : memref<1x128xf32, #tpu.memory_space<vmem>>, vector<1x128xf32>
    %add3A_20 = vector.broadcast %get3A_19 : vector<1x128xf32> to vector<256x128xf32>
    %add3A_21 = arith.addf %dot_general3A_16, %add3A_20 : vector<256x128xf32>
    %max3A_22 = arith.constant 0.000000e+00 : f32
    %max3A_23 = vector.broadcast %max3A_22 : f32 to vector<256x128xf32>
    %max3A_24 = arith.maximumf %add3A_21, %max3A_23 : vector<256x128xf32>
    %get3A_25 = arith.constant 0 : index
    %get3A_26 = arith.constant 0 : index
    %get3A_27 = vector.load %arg5[%get3A_25, %get3A_26] : memref<128x256xf32, #tpu.memory_space<vmem>>, vector<128x256xf32>
    %dot_general3A_28 = arith.constant dense<0.000000e+00> : vector<256x256xf32>
    %dot_general3A_29 = tpu.matmul %max3A_24, %get3A_27, %dot_general3A_28 {dimension_numbers = #tpu.dot_dimension_numbers<[1], [0], [0], [1], [0, 0, 1, 1], [], []>, transpose_lhs_hint = false} : vector<256x128xf32>, vector<128x256xf32>, vector<256x256xf32> -> vector<256x256xf32>
    %get3A_30 = arith.constant 0 : index
    %get3A_31 = arith.constant 0 : index
    %get3A_32 = vector.load %arg6[%get3A_30, %get3A_31] : memref<1x256xf32, #tpu.memory_space<vmem>>, vector<1x256xf32>
    %add3A_33 = vector.broadcast %get3A_32 : vector<1x256xf32> to vector<256x256xf32>
    %add3A_34 = arith.addf %dot_general3A_29, %add3A_33 : vector<256x256xf32>
    %get3A_35 = arith.constant 0 : index
    %get3A_36 = arith.constant 0 : index
    %get3A_37 = vector.load %arg7[%get3A_35, %get3A_36] : memref<256x256xf32, #tpu.memory_space<vmem>>, vector<256x256xf32>
    %add3A_38 = arith.addf %add3A_34, %get3A_37 : vector<256x256xf32>
    %swap3A = arith.constant 0 : index
    %swap3A_39 = arith.constant 0 : index
    %swap3A_40 = vector.load %arg8[%swap3A, %swap3A_39] : memref<256x256xf32, #tpu.memory_space<vmem>>, vector<256x256xf32>
    tpu.vector_store %arg8[%swap3A, %swap3A_39], %add3A_38 {strides = array<i32>} : memref<256x256xf32, #tpu.memory_space<vmem>>, vector<256x256xf32>,
    return
  }
}

</mosaic_0001>

<sc_bundles>
// kernel: kernel.4.cloned.1.call-start
scs
__scs_entry_jumppad:
0x0: {  	(pc) =	sbr.rel $0x88, $3  }
0x1: {  	(tag) =	ssettag $0x0;
	lr =	simm.s32 $0x1  }
0x2: {  	[smem:$0x3F9A] =	sst lr;
	_ =	strace $0xD0000000  }
0x3: {  	_ = 	snop  }
0x4: {  	_ = 	snop  }
0x5: {  	_ = 	snop  }
0x6: {  	_ = 	snop  }
0x7: {  	_ = 	snop  }
__scs_overlays_trampoline_lowered:
0x8: {  	[smem:$0x3FA9] =	sst s0  }
0x9: {  	[smem:$0x3FAA] =	sst s1  }
0xa: {  	[smem:$0x3FAB] =	sst s2  }
0xb: {  	[smem:$0x3FAC] =	sst s3  }
0xc: {  	[smem:$0x3FAD] =	sst s4  }
0xd: {  	[smem:$0x3FAE] =	sst s5  }
0xe: {  	[smem:$0x3FAF] =	sst s6  }
0xf: {  	[smem:$0x3FB0] =	sst s7  }
0x10: {  	[smem:$0x3FB1] =	sst s8  }
0x11: {  	[smem:$0x3FB2] =	sst s9;
	s0 =	simm.s32 @!p0 $0x0  }
0x12: {  	s1 =	sld [smem:$0x3F98];
	s0 =	simm.s32 @p0 $0x1  }
0x13: {  	[smem:$0x3FB3] =	sst s0;
	s0 =	simm.s32 @!p1 $0x0  }
0x14: {  	s2 =	sld [smem:$0x3F97];
	s0 =	simm.s32 @p1 $0x1  }
0x15: {  	[smem:$0x3FB4] =	sst s0;
	s0 =	simm.s32 @!p2 $0x0  }
0x16: {  	s3 =	sld [smem:$0x3FDB];
	s0 =	simm.s32 @p2 $0x1  }
0x17: {  	s4 =	simm.s32 $0x1BF5;
	[smem:$0x3FB6] =	sst s0  }
0x18: {  	s0 =	sld [smem:$0x3F99];
	_ =	swait.ge [sflag:s4], $0x0  }
0x19: {  	s7 =	sld [smem:$0x3F9A]  }
0x1a: {  	s8 =	sadd.s32 $0xFFFFE003, lr  }
0x1b: {  	s9 =	sadd.s32 $0xFFFFFEF7, lr;
	s5 =	simm.s32 $0xFFFFFFFF;
	p2 =	slt.u32 s8, $0xFFFFF086  }
0x1c: {  	p1 =	slt.u32 s9, $0xF7A;
	s5 =	simm.s32 @!p2 $0x0  }
0x1d: {  	s5 =	simm.s32 @p1 $0x1;
	p0 =	seq.s32 s7, s2  }
0x1e: {  	s7 =	smul.u32 @!p0 $0xF7A, s2;
	p2 =	seq.s32 @!p0 s5, $0x0  }
0x1f: {  	s9 =	smul.u32 $0xF7A, s1;
	s8 =	simm.s32 @!p0 $0x1BF5;
	p2 =	por !p2, p0  }
0x20: {  	[sflag:s8] =	ssyncset.s32 @!p0 $0xFFFFF086;
	s6 =	sadd.s32 @!p0 s3, s7;
	s7 =	simm.s32 @!p0 $0x108  }
0x21: {  	s3 =	sadd.s32 s3, s9;
	s6 =	sadd.s32 @!p0 $0x88, s6;
	s7 =	simm.s32 @p2 $0x1082  }
0x22: {  	[simem:s7], [sflag:s8] =	dma.local @!p0 [hbm:s6], $0xF7A  }
0x23: {  	s9 =	sor.u32 $0xD0000000, s2;
	s6 =	simm.s32 $0x108;
	_ =	swait.ge @!p0 [sflag:s8], $0x0  }
0x24: {  	s3 =	sadd.s32 $0x88, s3;
	s6 =	simm.s32 @!p1 $0x1082;
	[sflag:s4] =	ssyncset.s32 $0xFFFFF086  }
0x25: {  	[simem:s6], [sflag:s4] =	dma.local [hbm:s3], $0xF7A  }
0x26: {  	[smem:$0x3F9A] =	sst s1;
	(tag) =	ssettag s2;
	_ =	strace s9  }
0x27: {  	s1 =	sld [smem:$0x3FAA]  }
0x28: {  	s2 =	sld [smem:$0x3FAB]  }
0x29: {  	s4 =	sld [smem:$0x3FAD]  }
0x2a: {  	p0 =	seq.s32 s5, $0x0;
	s5 =	sld [smem:$0x3FAE]  }
0x2b: {  	s6 =	sld [smem:$0x3FAF]  }
0x2c: {  	s7 =	sld [smem:$0x3FB0]  }
0x2d: {  	s3 =	simm.s32 $0x108;
	s8 =	sld [smem:$0x3FB1]  }
0x2e: {  	s3 =	simm.s32 @!p0 $0x1082;
	s9 =	sld [smem:$0x3FB2]  }
0x2f: {  	lr =	sadd.s32 s0, s3;
	s0 =	sld [smem:$0x3FA9]  }
0x30: {  	s3 =	sld [smem:$0x3FAC]  }
0x31: {  	[smem:$0x3FB5] =	sst s10  }
0x32: {  	s10 =	sld [smem:$0x3FB3];
	_ =	sdelay $0x3  }
0x33: {  	p0 =	seq.s32 s10, $0x1;
	s10 =	sld [smem:$0x3FB5];
	_ =	sdelay $0x3  }
0x34: {  	[smem:$0x3FB5] =	sst s10  }
0x35: {  	s10 =	sld [smem:$0x3FB4];
	_ =	sdelay $0x3  }
0x36: {  	p1 =	seq.s32 s10, $0x1;
	s10 =	sld [smem:$0x3FB5];
	_ =	sdelay $0x3  }
0x37: {  	[smem:$0x3FB5] =	sst s10  }
0x38: {  	s10 =	sld [smem:$0x3FB6]  }
0x39: {  	_ = 	snop;
	(pc) =	sbr.ind lr, $3  }
0x3a: {  	_ = 	snop  }
0x3b: {  	_ = 	snop  }
0x3c: {  	p2 =	seq.s32 s10, $0x1;
	s10 =	sld [smem:$0x3FB5]  }
0x3d: {  	_ =	shalt  }
0x3e: {  	_ =	shalt  }
0x3f: {  	_ =	shalt  }
0x40: {  	_ =	shalt  }
0x41: {  	_ =	shalt  }
0x42: {  	_ =	shalt  }
0x43: {  	_ =	shalt  }
0x44: {  	_ =	shalt  }
0x45: {  	_ =	shalt  }
0x46: {  	_ =	shalt  }
0x47: {  	_ =	shalt  }
0x48: {  	_ =	shalt  }
0x49: {  	_ =	shalt  }
0x4a: {  	_ =	shalt  }
0x4b: {  	_ =	shalt  }
0x4c: {  	_ =	shalt  }
0x4d: {  	_ =	shalt  }
0x4e: {  	_ =	shalt  }
0x4f: {  	_ =	shalt  }
0x50: {  	_ =	shalt  }
0x51: {  	_ =	shalt  }
0x52: {  	_ =	shalt  }
0x53: {  	_ =	shalt  }
0x54: {  	_ =	shalt  }
0x55: {  	_ =	shalt  }
0x56: {  	_ =	shalt  }
0x57: {  	_ =	shalt  }
0x58: {  	_ =	shalt  }
0x59: {  	_ =	shalt  }
0x5a: {  	_ =	shalt  }
0x5b: {  	_ =	shalt  }
0x5c: {  	_ =	shalt  }
0x5d: {  	_ =	shalt  }
0x5e: {  	_ =	shalt  }
0x5f: {  	_ =	shalt  }
0x60: {  	_ =	shalt  }
0x61: {  	_ =	shalt  }
0x62: {  	_ =	shalt  }
0x63: {  	_ =	shalt  }
0x64: {  	_ =	shalt  }
0x65: {  	_ =	shalt  }
0x66: {  	_ =	shalt  }
0x67: {  	_ =	shalt  }
0x68: {  	_ =	shalt  }
0x69: {  	_ =	shalt  }
0x6a: {  	_ =	shalt  }
0x6b: {  	_ =	shalt  }
0x6c: {  	_ =	shalt  }
0x6d: {  	_ =	shalt  }
0x6e: {  	_ =	shalt  }
0x6f: {  	_ =	shalt  }
0x70: {  	_ =	shalt  }
0x71: {  	_ =	shalt  }
0x72: {  	_ =	shalt  }
0x73: {  	_ =	shalt  }
0x74: {  	_ =	shalt  }
0x75: {  	_ =	shalt  }
0x76: {  	_ =	shalt  }
0x77: {  	_ =	shalt  }
0x78: {  	_ =	shalt  }
0x79: {  	_ =	shalt  }
0x7a: {  	_ =	shalt  }
0x7b: {  	_ =	shalt  }
0x7c: {  	_ =	shalt  }
0x7d: {  	_ =	shalt  }
0x7e: {  	_ =	shalt  }
0x7f: {  	_ =	shalt  }
0x80: {  	_ =	shalt  }
0x81: {  	_ =	shalt  }
0x82: {  	_ =	shalt  }
0x83: {  	_ =	shalt  }
0x84: {  	_ =	shalt  }
0x85: {  	_ =	shalt  }
0x86: {  	_ =	shalt  }
0x87: {  	_ =	shalt  }
.Lfunc_end0:
.L_simem_size_0:
called_computation_lowered:
.L_overlay_start_0:
0x88: {  	s2 =	sld [smem:$0x3FD9]  }
0x89: {  	s3 =	sld [smem:$0x3FFE];
	_ =	sdelay $0x1  }
0x8a: {  	s1 =	srdreg.scid  }
0x8b: {  	s0 =	sand.u32 $0x1, s1  }
0x8c: {  	s18 =	sshll.u32 s0, $0xA;
	s2 =	sadd.s32 s3, s2  }
0x8d: {  	s2 =	sadd.s32 s2, s18  }
0x8e: {  	[smem:$0x3FC1] =	sst s2  }
0x8f: {  	_ = 	snop  }
0x90: {  	s2 =	sld [smem:$0x3FC9]  }
0x91: {  	s19 =	sld [smem:$0x3FD0];
	(tm) =	ssettm $0x1  }
0x92: {  	s4 =	sld [smem:$0x3FFB];
	_ =	sdelay $0x3  }
0x93: {  	_ =	strace s4  }
0x94: {  	s4 =	sld [smem:$0x3FFC];
	_ =	sdelay $0x3  }
0x95: {  	_ =	strace s4  }
0x96: {  	s4 =	sld [smem:$0x3FFD];
	_ =	sdelay $0x3  }
0x97: {  	_ =	strace s4  }
0x98: {  	_ =	strace $0x8FFFFFFF  }
0x99: {  	s20 =	sld [smem:$0x3FDB];
	_ =	sdelay $0x1  }
0x9a: {  	s5 =	simm.s32 $_scs_section_size  }
0x9b: {  	s6 =	simm.s32 $_size__tile_overlayer_lowered;
	s7 =	simm.s32 $_tile_overlayer_lowered  }
0x9c: {  	s23 =	simm.s32 $0x1BFF;
	s22 =	sshll.u32 s7, $0x1;
	s4 =	sadd.s32 s5, s20  }
0x9d: {  	s8 =	simm.s32 $0x0;
	s21 =	sshll.u32 s6, $0x1;
	s6 =	sadd.s32 s22, s4  }
0x9e: {  	[timem:s8], [sflag:s23] =	dma.local [hbm:s6], s21  }
0x9f: {  	_ =	swait.ge [sflag:s23], s21  }
0xa0: {  	s5 =	ssub.s32 $0x0, s21;
	[sflag:s23] =	ssyncset.done $0x0  }
0xa1: {  	[sflag:s23] =	ssyncadd.s32 s5;
	_ =	sdelay $0x1  }
0xa2: {  	s24 =	simm.s32 $0x1B8B  }
0xa3: {  	_ =	swait.ge [sflag:s24], $0x1  }
0xa4: {  	[sflag:s24] =	ssyncset.done $0x0  }
0xa5: {  	s25 =	simm.s32 $0x1B8E;
	[sflag:s24] =	ssyncadd.s32 $0xFFFFFFFF  }
0xa6: {  	s26 =	simm.s32 $execute0_lowered;
	[smem:$0x3FD2] =	sst s25  }
0xa7: {  	s5 =	sshll.u32 s26, $0x1;
	_ =	strace $0x80000046;
	[dreg:$0x1] =	wrdreg $0xFFFFFFFF  }
0xa8: {  	s28 =	simm.s32 $_size_execute0_lowered;
	s4 =	sadd.s32 s4, s5;
	[dreg:$0x0] =	wrdreg $0x0  }
0xa9: {  	s5 =	sshll.u32 s28, $0x1;
	[dreg:$0x2] =	wrdreg s4  }
0xaa: {  	[dreg:$0x3] =	wrdreg s5  }
0xab: {  	[dreg:$0x4] =	wrdreg $0xC0  }
0xac: {  	_ =	task [dreg:s8], $0x5FFFF  }
0xad: {  	[dreg:$0x1] =	wrdreg $0xFFFFFFFF  }
0xae: {  	[dreg:$0x0] =	wrdreg $0x60  }
0xaf: {  	[dreg:$0x2] =	wrdreg s2  }
0xb0: {  	[dreg:$0x3] =	wrdreg s19  }
0xb1: {  	[dreg:$0x4] =	wrdreg $0xF7000  }
0xb2: {  	[dreg:$0x5] =	wrdreg $0x9  }
0xb3: {  	_ =	task.clear_ibuf [dreg:s8], $0x6FFFF;
	_ =	strace $0x90000046  }
0xb4: {  	s29 =	simm.s32 $0x9;
	_ =	strace $0x80000048  }
0xb5: {  	_ =	swait.ge [sflag:s29], $0x1  }
0xb6: {  	[sflag:s29] =	ssyncadd.s32 $0xFFFFFFFF  }
0xb7: {  	_ =	strace $0x90000048  }
0xb8: {  	_ =	sfence  }
0xb9: {  	s30 =	sld [smem:$0x0];
	_ =	sdelay $0x2  }
0xba: {  	s31 =	sshll.u32 s1, $0xD;
	s1 =	sshrl.u32 s1, $0x2  }
0xbb: {  	s3 =	sand.u32 $0x4000, s31;
	s1 =	sadd.s32 s1, s30  }
0xbc: {  	s0 =	sor.u32 s3, s0;
	s1 =	sshll.u32 s1, $0x11  }
0xbd: {  	s0 =	sor.u32 s1, s0  }
0xbe: {  	s0 =	sadd.s32 $0x8F2B, s0  }
0xbf: {  	[sflag:s0] =	ssyncadd.remote.s32 $0x1  }
0xc0: {  	_ =	sfence.sel $0xFFFF  }
0xc1: {  	[dreg:$0x0] =	wrdreg $0xFFFFFFFF;
	(pc) =	sbr.abs _section_cstart, $3  }
0xc2: {  	[dreg:$0x1] =	wrdreg $0xFFFFFFFF  }
0xc3: {  	_ =	task.clear_ibuf [dreg:s8], $0x2FFFF;
	_ =	strace $0x9FFFFFFF  }
0xc4: {  	(tm) =	ssettm $0x7FFFFFFF  }
0xc5: {  	_ =	shalt  }
tec
execute0_lowered:
.L_overlay_start_1:
0x0: {  	(tag) =	ssettag $0x1  }
0x1: {  	s0 =	stileid.u32;
	s4 =	rddreg [dreg:$0x0]  }
0x2: {  	s3 =	srdreg.scid;
	s12 =	rddreg [dreg:$0x1]  }
0x3: {  	s5 =	simm.s32 $0x1;
	s10 =	rddreg [dreg:$0x2];
	s8 =	simm.f32 $+Inf  }
0x4: {  	s16 =	simm.s32 $0x6200;
	s17 =	simm.s32 $0x9300;
	s19 =	simm.s32 $0xF580  }
0x5: {  	s20 =	simm.s32 $0xF600;
	s21 =	simm.s32 $0x0;
	s18 =	sand.u32 $0x7, s0  }
0x6: {  	s3 =	sand.u32 $0x1, s3;
	s9 =	sshrl.u32 s0, $0x3;
	s1 =	smul.u32 $0x3100, s18  }
0x7: {  	s14 =	sshll.u32 s0, $0x4;
	p0 =	seq.s32 s18, $0x0;
	s26 =	sshll.u32 s3, $0x1  }
0x8: {  	s29 =	ssub.s32 $0x2, s3;
	s15 =	sshll.u32 s9, $0x7;
	s1 =	smin.u32 s1, $0x155A0  }
0x9: {  	s11 =	sor.u32 s9, s26;
	s31 =	sshrl.u32 s29, $0x1;
	s2 =	sshrl.u32 s1, $0x5  }
0xa: {  	s8 =	simm.s32 @!p0 $0xFF800000;
	s9 =	sadd.s32 s14, s10;
	s2 =	sand.u32 $0x1, s2  }
0xb: {  	s10 =	sadd.s32 s15, s10;
	s14 =	simm.s32 $0x200;
	p1 =	seq.s32 s2, $0x1  }
0xc: {  	s15 =	simm.s32 $0x3100;
	s28 =	smul.u32 $0x61C00, s11;
	p1 =	por !p0, !p1  }
0xd: {  	s13 =	ssub.s32 s29, s31;
	s11 =	sshll.u32 s11, $0x5;
	p1 =	por !p1, !p1  }
0xe: {  	s1 =	sshrl.u32 s1, $0x7;
	s11 =	sadd.s32 s12, s11;
	s5 =	simm.s32 @!p1 $0x0  }
0xf: {  	s12 =	smax.u32 s13, $0x1;
	s13 =	simm.s32 $0x80;
	s1 =	ssub.s32 s1, s5  }
.Ltmp0:
0x10: {  	s2 =	simm.s32 $0x0;
	s6 =	sshll.u32 s1, $0x9;
	(pc) =	sbr.rel .LBB2_1-.Ltmp0, $4  }
0x11: {  	v0 =	vimm.f32 $+Inf;
	[smem:$0x7FF] =	sst s2;
	p0 =	sne.s32 s18, $0x0;
	s5 =	sadd.s32 s28, s6  }
0x12: {  	vm0 =	vmmov $0x1;
	vm1 =	vcmask $0x3F10;
	v1 =	vlaneseq.u32;
	s18 =	simm.s32 $0xF500;
	s1 =	rddreg [dreg:$0x3];
	s30 =	sshrl.u32 s5, $0x3  }
0x13: {  	vm2 =	vcmask $0x3F0C;
	vm3 =	vcmask $0x3F08;
	vm4 =	vmmov $0xff;
	_ =	strace $0x80000047;
	s3 =	sadd.s32 s4, s30;
	s4 =	simm.s32 $0x1  }
0x14: {  	vm5 =	vcmask $0x3F04;
	v2 =	vmul.u32 $0x10, v1;
	v3 =	vor.u32 $0x80000000, v1;
	s5 =	sadd.s32 $0x10, s3;
	s6 =	sadd.s32 $0x20, s3;
	s7 =	sadd.s32 $0x30, s3  }
.LBB2_8:
0x15: {  	[hbm4b:s11+s2] =	stream.linear.scatter [tilespmem:s20], [sflag:$0x1], $0x100, $0x38;
	[tilespmem:$0xF710] =	vst v63  }
0x16: {  	_ =	swait.ge [sflag:s4], $0x100  }
0x17: {  	[sflag:s4] =	ssyncset.done $0x0  }
0x18: {  	[sflag:s4] =	ssyncadd.s32 $0xFFFFFF00  }
.LBB2_9:
0x19: {  	s21 =	sadd.s32 $0x1, s21  }
0x1a: {  	p1 =	sne.s32 s21, s12  }
.Ltmp1:
0x1b: {  	_ = 	snop;
	(pc) =	sbr.rel @!p1 .LBB2_10-.Ltmp1, $1  }
0x1c: {  	_ =	sdelay $0x3  }
.LBB2_1:
0x1d: {  	[tilespmem:s2], [sflag:$0x1] =	stream.strided.gather [hbm4b:s3+s13], $0x3100, s14, s13, $0x38;
	[tilespmem:$0xF710] =	vst v63  }
0x1e: {  	_ =	swait.ge [sflag:s4], $0x3100  }
0x1f: {  	[sflag:s4] =	ssyncset.done $0x0  }
0x20: {  	[sflag:s4] =	ssyncadd.s32 $0xFFFFCF00  }
0x21: {  	[tilespmem:s15], [sflag:$0x1] =	stream.strided.gather [hbm4b:s5+s13], $0x3100, s14, s13, $0x38;
	[tilespmem:$0xF710] =	vst v63  }
0x22: {  	_ =	swait.ge [sflag:s4], $0x3100  }
0x23: {  	[sflag:s4] =	ssyncset.done $0x0  }
0x24: {  	[sflag:s4] =	ssyncadd.s32 $0xFFFFCF00  }
0x25: {  	[tilespmem:s16], [sflag:$0x1] =	stream.strided.gather [hbm4b:s6+s13], $0x3100, s14, s13, $0x38;
	[tilespmem:$0xF710] =	vst v63  }
0x26: {  	_ =	swait.ge [sflag:s4], $0x3100  }
0x27: {  	[sflag:s4] =	ssyncset.done $0x0  }
0x28: {  	[sflag:s4] =	ssyncadd.s32 $0xFFFFCF00  }
0x29: {  	[tilespmem:s17], [sflag:$0x1] =	stream.strided.gather [hbm4b:s7+s13], $0x3100, s14, s13, $0x38;
	[tilespmem:$0xF710] =	vst v63  }
0x2a: {  	_ =	swait.ge [sflag:s4], $0x3100  }
0x2b: {  	[sflag:s4] =	ssyncset.done $0x0  }
0x2c: {  	s22 =	simm.s32 $0xC440;
	[sflag:s4] =	ssyncadd.s32 $0xFFFFCF00  }
0x2d: {  	[tilespmem:s22+$0xFFFFFFC0] =	vst v0  }
0x2e: {  	[tilespmem:s22+$0x30] =	vst v0  }
0x2f: {  	[tilespmem:s22+$0x20] =	vst v0  }
0x30: {  	[tilespmem:s22+$0x10] =	vst v0  }
0x31: {  	[tilespmem:s22+$0x0] =	vst v0  }
0x32: {  	[tilespmem:s22+$0xFFFFFFF0] =	vst v0  }
0x33: {  	s23 =	simm.s32 $0x0;
	[tilespmem:s22+$0xFFFFFFE0] =	vst v0  }
.LBB2_2:
0x34: {  	s23 =	sadd.s32 $0x8, s23;
	[tilespmem:s22+$0xFFFFFFD0] =	vst v0;
	s22 =	sadd.s32 $0x80, s22  }
0x35: {  	[tilespmem:s22+$0xFFFFFFC0] =	vst v0;
	p1 =	slt.u32 s23, $0x308  }
0x36: {  	[tilespmem:s22+$0x30] =	vst v0  }
.Ltmp2:
0x37: {  	[tilespmem:s22+$0x20] =	vst v0;
	(pc) =	sbr.rel @p1 .LBB2_2-.Ltmp2, $4  }
0x38: {  	[tilespmem:s22+$0x10] =	vst v0  }
0x39: {  	[tilespmem:s22+$0x0] =	vst v0  }
0x3a: {  	[tilespmem:s22+$0xFFFFFFF0] =	vst v0  }
0x3b: {  	[tilespmem:s22+$0xFFFFFFE0] =	vst v0  }
0x3c: {  	[tilespmem:s22+$0xFFFFFFD0] =	vst v0  }
0x3d: {  	v4 =	vld [tilespmem:$0x0]  }
0x3e: {  	v5 =	vld [tilespmem:$0x3100]  }
0x3f: {  	v6 =	vld [tilespmem:$0x6200]  }
0x40: {  	v7 =	vld [tilespmem:$0x9300];
	_ =	sdelay $0x1  }
0x41: {  	v4 =	vnsel vm0, $0x0, v4  }
0x42: {  	(xrf2) =	vadd.scan.msk.f32 $0xffff, v4;
	v4 =	vnsel vm0, $0x0, v5  }
0x43: {  	(xrf2) =	vadd.scan.msk.f32 $0xffff, v4;
	v4 =	vnsel vm0, $0x0, v6  }
0x44: {  	(xrf2) =	vadd.scan.msk.f32 $0xffff, v4;
	v4 =	vnsel vm0, $0x0, v7  }
0x45: {  	(xrf2) =	vadd.scan.msk.f32 $0xffff, v4;
	_ =	sdelay $0x6  }
0x46: {  	v4, _, _ =	vpop (xrf2)  }
0x47: {  	v5, _, _ =	vpop (xrf2)  }
0x48: {  	v6, _, _ =	vpop (xrf2)  }
0x49: {  	v7, _, _ =	vpop (xrf2)  }
0x4a: {  	v6 =	vbroadcast v6, $0xF;
	v7 =	vbroadcast v7, $0xF  }
0x4b: {  	v5 =	vbroadcast v5, $0xF  }
0x4c: {  	v4 =	vbroadcast v4, $0xF;
	v6 =	vsel vm1, v7, v6  }
0x4d: {  	v5 =	vsel vm2, v6, v5  }
0x4e: {  	vm6 =	veq.s32 v1, $0x0;
	v4 =	vsel vm3, v5, v4  }
0x4f: {  	v4 =	vsel vm6, s8, v4  }
0x50: {  	[tilespmem:$0xF500] =	vst v4  }
0x51: {  	[spmem:s9] =	stream.linear.scatter [tilespmem:s18], [sflag:$0x1], $0x10, $0x38;
	[tilespmem:$0xF710] =	vst v63  }
0x52: {  	_ =	swait.ge [sflag:s4], $0x10  }
0x53: {  	[sflag:s4] =	ssyncset.done $0x0  }
0x54: {  	[sflag:s4] =	ssyncadd.s32 $0xFFFFFFF0  }
0x55: {  	[bflag:$0x0] =	sbarrier.arrive $0xFFFF  }
0x56: {  	[tilespmem:s19], [sflag:$0x1] =	stream.linear.gather [spmem:s10], $0x80, $0x38;
	[tilespmem:$0xF710] =	vst v63  }
0x57: {  	_ =	swait.ge [sflag:s4], $0x80  }
0x58: {  	[sflag:s4] =	ssyncset.done $0x0  }
0x59: {  	[sflag:s4] =	ssyncadd.s32 $0xFFFFFF80  }
0x5a: {  	v4 =	vld.idx.msk [tilespmem:v2+s19+$0x0], $0xff;
	_ =	sdelay $0x4  }
0x5b: {  	v4 =	vnsel vm4, $0xFF800000, v4  }
0x5c: {  	(xrf0) =	vmax.scan.msk.f32 $0xffff, v4;
	_ =	sdelay $0x5  }
0x5d: {  	v5, _, _ =	vpop (xrf0)  }
0x5e: {  	v5 =	vbroadcast v5, $0xF;
	_ =	sdelay $0x1  }
0x5f: {  	vm6 =	veq.f32 v4, v5  }
0x60: {  	v4 =	vnsel vm6, $0x80000040, v3  }
0x61: {  	(xrf0) =	vmin.scan.msk.u32 $0xffff, v4;
	_ =	sdelay $0x5  }
0x62: {  	v4, _, _ =	vpop (xrf0)  }
0x63: {  	(v2sf) =	vpush v4, $0xF;
	_ =	sdelay $0xe  }
0x64: {  	s31 =	spop (v2sf)  }
0x65: {  	s22 =	sshll.u32 s31, $0x4  }
0x66: {  	v4 =	vmov s22  }
0x67: {  	v7 =	vlaneseq.u32 @!p0;
	v5 =	vor.u32 $0x1, v4  }
0x68: {  	v6 =	vadd.s32 @!p0 v7, v5;
	_ =	sdelay $0x3  }
0x69: {  	s22 =	simm.s32 @!p0 $0xF580;
	v8 =	vor.u32 $0x2, v4  }
0x6a: {  	v9 =	vor.u32 $0x3, v4;
	v10 =	vld.idx.msk @!p0 [tilespmem:v6+s22+$0x0], $0xf  }
.Ltmp3:
0x6b: {  	_ = 	snop;
	(pc) =	sbr.rel .LBB2_4-.Ltmp3, $4  }
0x6c: {  	_ = 	snop  }
0x6d: {  	v4 =	vld.idx.msk [tilespmem:v5+s19+$0x0], $0xffff  }
0x6e: {  	v5 =	vld.idx.msk [tilespmem:v8+s19+$0x0], $0xffff;
	s22 =	simm.s32 @!p0 $0xF600  }
0x6f: {  	v6 =	vld.idx.msk [tilespmem:v9+s19+$0x0], $0xffff;
	[tilespmem:v7+s22+$0x0] =	vst.idx.msk @!p0 $0xf, v10;
	s22 =	simm.s32 $0x0  }
.LBB2_7:
0x70: {  	v7 =	vadd.s32 v1, v7;
	_ =	sdelay $0x3  }
0x71: {  	s23 =	sshll.u32 s22, $0x2  }
0x72: {  	p1 =	seq.s32 s22, $0x3F;
	v8 =	vadd.s32 s23, v1;
	v7 =	vld.idx.msk [tilespmem:v7+s19+$0x0], $0xf  }
.Ltmp4:
0x73: {  	_ = 	snop;
	(pc) =	sbr.rel @p1 .LBB2_8-.Ltmp4, $2  }
0x74: {  	_ =	sdelay $0x2  }
0x75: {  	[tilespmem:v8+s20+$0x0] =	vst.idx.msk $0xf, v7  }
.LBB2_4:
0x76: {  	s25 =	simm.s32 $0x6240  }
0x77: {  	v7 =	vld [tilespmem:s25+$0x30]  }
0x78: {  	s23 =	simm.s32 $0x40;
	v8 =	vld [tilespmem:s25+$0x20]  }
0x79: {  	s24 =	simm.s32 $0x3140;
	v9 =	vld [tilespmem:s23+$0x30]  }
0x7a: {  	v10 =	vld [tilespmem:s24+$0x30]  }
0x7b: {  	v11 =	vld [tilespmem:s25+$0x10]  }
0x7c: {  	v12 =	vld [tilespmem:s23+$0x20]  }
0x7d: {  	v13 =	vld [tilespmem:s24+$0x20]  }
0x7e: {  	v14 =	vld [tilespmem:s25+$0x0]  }
0x7f: {  	v15 =	vld [tilespmem:s23+$0x10]  }
0x80: {  	v16 =	vld [tilespmem:s24+$0x10]  }
0x81: {  	v17 =	vld [tilespmem:s25+$0xFFFFFFF0]  }
0x82: {  	v18 =	vld [tilespmem:s23+$0x0]  }
0x83: {  	v19 =	vld [tilespmem:s24+$0x0];
	v20 =	vsub.f32 v8, v6;
	v21 =	vsub.f32 v7, v6  }
0x84: {  	v22 =	vld [tilespmem:s25+$0xFFFFFFE0];
	v23 =	vsub.f32 v9, v4;
	v25 =	vsub.f32 v11, v6  }
0x85: {  	v26 =	vimm.f32 $-Inf;
	v24 =	vld [tilespmem:s23+$0xFFFFFFF0];
	v27 =	vsub.f32 v10, v5;
	v29 =	vsub.f32 v12, v4  }
0x86: {  	v28 =	vlaneseq.u32;
	s26 =	simm.s32 $0x40;
	v32 =	vld [tilespmem:s25+$0xFFFFFFC0];
	v30 =	vsub.f32 v13, v5;
	v31 =	vsub.f32 v14, v6  }
0x87: {  	s28 =	simm.s32 $0x30;
	v35 =	vld [tilespmem:s23+$0xFFFFFFC0];
	v7 =	vor.u32 s26, v1;
	v15 =	vsub.f32 v15, v4;
	v33 =	vsub.f32 v17, v6  }
0x88: {  	s31 =	simm.s32 $0x20;
	v38 =	vld [tilespmem:s24+$0xFFFFFFC0];
	v8 =	vor.u32 s28, v1;
	v34 =	vsub.f32 v16, v5;
	v36 =	vsub.f32 v18, v4  }
0x89: {  	v57 =	vld [tilespmem:s24+$0xFFFFFFE0];
	v9 =	vor.u32 s31, v1;
	v37 =	vsub.f32 v19, v5;
	v40 =	vsub.f32 v22, v6  }
0x8a: {  	v10 =	vld [tilespmem:s25+$0xFFFFFFD0];
	v41 =	vsub.f32 v24, v4;
	v12 =	vmul.f32 v20, v20;
	v14 =	vmul.f32 v27, v27  }
0x8b: {  	v24 =	vld [tilespmem:s23+$0xFFFFFFD0];
	v27 =	vsub.f32 v32, v6;
	v16 =	vmul.f32 v25, v25;
	v17 =	vmul.f32 v29, v29  }
0x8c: {  	v20 =	vld [tilespmem:s24+$0xFFFFFFD0];
	v25 =	vsub.f32 v35, v4;
	v19 =	vmul.f32 v31, v31;
	v18 =	vmul.f32 v30, v30  }
0x8d: {  	v13 =	vld [tilespmem:s23+$0xFFFFFFE0];
	v29 =	vsub.f32 v38, v5;
	v22 =	vmul.f32 v34, v34;
	v58 =	vmul.f32 v40, v40  }
0x8e: {  	s30 =	simm.s32 $0x10;
	v32 =	vsub.f32 v57, v5;
	v62 =	vmul.f32 v41, v41;
	v25 =	vmul.f32 v25, v25  }
0x8f: {  	v11 =	vor.u32 s30, v1;
	v30 =	vld [tilespmem:s24+$0xFFFFFFF0];
	v29 =	vmul.f32 v29, v29;
	v27 =	vmul.f32 v27, v27  }
0x90: {  	s25 =	simm.s32 $0xC440;
	v32 =	vmul.f32 v32, v32;
	v42 =	vsub.f32 v10, v6;
	v10 =	vmul.f32 v21, v21  }
0x91: {  	v31 =	vld [tilespmem:s25+$0xFFFFFFC0];
	v21 =	vmul.f32 v15, v15;
	v15 =	vsub.f32 v24, v4;
	v20 =	vsub.f32 v20, v5  }
0x92: {  	s31 =	simm.s32 $0x0;
	v43 =	vsub.f32 v13, v4;
	v13 =	vmul.f32 v23, v23;
	v25 =	vadd.f32 v29, v25  }
0x93: {  	v39 =	vor.u32 s31, v1;
	v59 =	vld [tilespmem:s25+$0xFFFFFFD0];
	v29 =	vmul.f32 v15, v15;
	v20 =	vmul.f32 v20, v20  }
0x94: {  	v15 =	vld [tilespmem:s25+$0x30];
	v60 =	vmul.f32 v43, v43;
	v30 =	vsub.f32 v30, v5;
	v25 =	vadd.f32 v27, v25  }
0x95: {  	v23 =	vmul.f32 v33, v33;
	v61 =	vmul.f32 v42, v42;
	v27 =	vld [tilespmem:s25+$0xFFFFFFE0];
	v29 =	vadd.f32 v20, v29  }
0x96: {  	v32 =	vadd.f32 v32, v60;
	v30 =	vmul.f32 v30, v30;
	v63 =	vmin.f32 v31, v25;
	v25 =	vld [tilespmem:s25+$0x10]  }
0x97: {  	v24 =	vmul.f32 v36, v36;
	v31 =	vmul.f32 v37, v37;
	v20 =	vld [tilespmem:s25+$0x20];
	v36 =	vadd.f32 v61, v29  }
0x98: {  	vm6 =	vgt.f32 v63, v26;
	v32 =	vadd.f32 v58, v32;
	v33 =	vadd.f32 v30, v62;
	v29 =	vld [tilespmem:s25+$0xFFFFFFF0]  }
0x99: {  	s29 =	simm.s32 $0x62C0;
	s26 =	simm.s32 $0x70;
	s28 =	simm.s32 $0x0;
	[tilespmem:s25+$0xFFFFFFC0] =	vst v63;
	v34 =	vsel vm6, v63, v26;
	v30 =	vsel vm6, v39, v28;
	v28 =	vld [tilespmem:s25+$0x0];
	v26 =	vmin.f32 v59, v36  }
.LBB2_5:
0x9a: {  	v35 =	vld [tilespmem:s29+$0x30];
	[tilespmem:s25+$0xFFFFFFD0] =	vst v26;
	vm6 =	vgt.f32 v26, v34;
	v23 =	vadd.f32 v23, v33;
	v24 =	vadd.f32 v31, v24  }
0x9b: {  	s23 =	sadd.s32 $0x80, s23;
	v31 =	vld [tilespmem:s29+$0x20];
	v26 =	vsel vm6, v26, v34;
	v11 =	vsel vm6, v11, v30;
	v27 =	vmin.f32 v27, v32  }
0x9c: {  	v21 =	vadd.f32 v22, v21;
	s24 =	sadd.s32 $0x80, s24;
	v30 =	vld [tilespmem:s23+$0x30];
	[tilespmem:s25+$0xFFFFFFE0] =	vst v27;
	vm6 =	vgt.f32 v27, v26;
	v19 =	vadd.f32 v19, v24  }
0x9d: {  	v22 =	vld [tilespmem:s24+$0x30];
	v24 =	vsel vm6, v27, v26;
	v9 =	vsel vm6, v9, v11;
	v11 =	vmin.f32 v29, v23  }
0x9e: {  	v17 =	vadd.f32 v18, v17;
	v16 =	vadd.f32 v16, v21;
	v23 =	vld [tilespmem:s29+$0x10];
	[tilespmem:s25+$0xFFFFFFF0] =	vst v11;
	vm6 =	vgt.f32 v11, v24  }
0x9f: {  	v18 =	vld [tilespmem:s23+$0x20];
	v11 =	vsel vm6, v11, v24;
	v8 =	vsel vm6, v8, v9;
	v9 =	vmin.f32 v28, v19  }
0xa0: {  	v13 =	vadd.f32 v14, v13;
	v12 =	vadd.f32 v12, v17;
	v19 =	vld [tilespmem:s24+$0x20];
	[tilespmem:s25+$0x0] =	vst v9;
	vm6 =	vgt.f32 v9, v11  }
0xa1: {  	s30 =	sadd.s32 $0xFFFFFFE0, s26;
	v14 =	vld [tilespmem:s29+$0x0];
	v9 =	vsel vm6, v9, v11;
	v7 =	vsel vm6, v7, v8;
	v8 =	vmin.f32 v25, v16  }
0xa2: {  	v10 =	vadd.f32 v10, v13;
	v16 =	vor.u32 s30, v1;
	v11 =	vld [tilespmem:s23+$0x10];
	[tilespmem:s25+$0x10] =	vst v8;
	vm6 =	vgt.f32 v8, v9  }
0xa3: {  	s30 =	sadd.s32 $0xFFFFFFF0, s26;
	v13 =	vld [tilespmem:s24+$0x10];
	v8 =	vsel vm6, v8, v9;
	v7 =	vsel vm6, v16, v7;
	v9 =	vmin.f32 v20, v12  }
0xa4: {  	v17 =	vor.u32 s26, v1;
	v16 =	vor.u32 s30, v1;
	v12 =	vld [tilespmem:s29+$0xFFFFFFF0];
	[tilespmem:s25+$0x20] =	vst v9;
	vm6 =	vgt.f32 v9, v8  }
0xa5: {  	v20 =	vld [tilespmem:s23+$0x0];
	v8 =	vsel vm6, v9, v8;
	v7 =	vsel vm6, v16, v7;
	v9 =	vmin.f32 v15, v10  }
0xa6: {  	v15 =	vsub.f32 v31, v6;
	v16 =	vsub.f32 v35, v6;
	v10 =	vld [tilespmem:s24+$0x0];
	[tilespmem:s25+$0x30] =	vst v9;
	vm6 =	vgt.f32 v9, v8  }
0xa7: {  	v24 =	vsub.f32 v30, v4;
	s26 =	sadd.s32 $0x80, s26;
	v21 =	vld [tilespmem:s29+$0xFFFFFFE0];
	v26 =	vsel vm6, v9, v8;
	v28 =	vsel vm6, v17, v7  }
0xa8: {  	v22 =	vsub.f32 v22, v5;
	s30 =	sadd.s32 $0xFFFFFFD0, s26;
	v23 =	vsub.f32 v23, v6;
	v17 =	vld [tilespmem:s23+$0xFFFFFFF0]  }
0xa9: {  	s31 =	sadd.s32 $0xFFFFFFC0, s26;
	v18 =	vsub.f32 v18, v4;
	v27 =	vsub.f32 v19, v5;
	v7 =	vor.u32 s30, v1;
	v25 =	vld [tilespmem:s29+$0xFFFFFFD0]  }
0xaa: {  	v29 =	vsub.f32 v14, v6;
	s30 =	sadd.s32 $0xFFFFFFB0, s26;
	v8 =	vor.u32 s31, v1;
	v30 =	vsub.f32 v11, v4;
	v19 =	vld [tilespmem:s23+$0xFFFFFFE0]  }
0xab: {  	s31 =	sadd.s32 $0xFFFFFFA0, s26;
	v9 =	vor.u32 s30, v1;
	v33 =	vsub.f32 v13, v5;
	v32 =	vsub.f32 v12, v6;
	v31 =	vld [tilespmem:s29+$0xFFFFFFC0]  }
0xac: {  	s30 =	sadd.s32 $0xFFFFFF90, s26;
	v11 =	vor.u32 s31, v1;
	v20 =	vsub.f32 v20, v4;
	v35 =	vsub.f32 v10, v5;
	v34 =	vld [tilespmem:s23+$0xFFFFFFC0]  }
0xad: {  	s28 =	sadd.s32 $0x8, s28;
	v37 =	vor.u32 s30, v1;
	v38 =	vsub.f32 v21, v6;
	v36 =	vld [tilespmem:s24+$0xFFFFFFC0];
	v39 =	vsub.f32 v17, v4  }
0xae: {  	p1 =	slt.u32 s28, $0x308;
	v12 =	vmul.f32 v15, v15;
	v10 =	vmul.f32 v16, v16;
	v40 =	vld [tilespmem:s23+$0xFFFFFFD0];
	v25 =	vsub.f32 v25, v6  }
0xaf: {  	v14 =	vmul.f32 v22, v22;
	v13 =	vmul.f32 v24, v24;
	v15 =	vld [tilespmem:s24+$0xFFFFFFD0];
	v41 =	vsub.f32 v19, v4  }
0xb0: {  	v16 =	vmul.f32 v23, v23;
	v17 =	vmul.f32 v18, v18;
	v31 =	vsub.f32 v31, v6;
	v42 =	vld [tilespmem:s24+$0xFFFFFFE0]  }
0xb1: {  	v18 =	vmul.f32 v27, v27;
	v19 =	vmul.f32 v29, v29;
	v34 =	vsub.f32 v34, v4  }
0xb2: {  	v22 =	vmul.f32 v33, v33;
	v21 =	vmul.f32 v30, v30;
	v27 =	vsub.f32 v36, v5;
	v29 =	vld [tilespmem:s24+$0xFFFFFFF0]  }
0xb3: {  	v23 =	vmul.f32 v32, v32;
	v24 =	vmul.f32 v20, v20;
	v30 =	vsub.f32 v40, v4  }
0xb4: {  	s25 =	sadd.s32 $0x80, s25;
	v20 =	vmul.f32 v34, v34;
	v27 =	vmul.f32 v27, v27;
	v15 =	vsub.f32 v15, v5  }
0xb5: {  	v31 =	vmul.f32 v31, v31;
	v34 =	vmul.f32 v38, v38;
	v32 =	vld [tilespmem:s25+$0xFFFFFFC0];
	v33 =	vsub.f32 v42, v5  }
0xb6: {  	v20 =	vadd.f32 v27, v20;
	v27 =	vmul.f32 v30, v30;
	v30 =	vmul.f32 v15, v15;
	v15 =	vld [tilespmem:s25+$0x30]  }
0xb7: {  	v38 =	vmul.f32 v41, v41;
	v36 =	vld [tilespmem:s25+$0xFFFFFFD0];
	v33 =	vmul.f32 v33, v33;
	v29 =	vsub.f32 v29, v5  }
.Ltmp5:
0xb8: {  	v25 =	vmul.f32 v25, v25;
	v31 =	vadd.f32 v31, v20;
	v30 =	vadd.f32 v30, v27;
	v20 =	vld [tilespmem:s25+$0x20];
	(pc) =	sbr.rel @p1 .LBB2_5-.Ltmp5, $4  }
0xb9: {  	v33 =	vadd.f32 v33, v38;
	v27 =	vld [tilespmem:s25+$0xFFFFFFE0];
	v38 =	vmul.f32 v39, v39;
	v29 =	vmul.f32 v29, v29  }
0xba: {  	v39 =	vmin.f32 v32, v31;
	v40 =	vadd.f32 v25, v30;
	v31 =	vmul.f32 v35, v35;
	v25 =	vld [tilespmem:s25+$0x10]  }
0xbb: {  	[tilespmem:s25+$0xFFFFFFC0] =	vst v39;
	vm6 =	vgt.f32 v39, v26;
	v32 =	vadd.f32 v34, v33;
	v33 =	vadd.f32 v29, v38;
	v29 =	vld [tilespmem:s25+$0xFFFFFFF0]  }
0xbc: {  	s29 =	sadd.s32 $0x80, s29;
	v34 =	vsel vm6, v39, v26;
	v30 =	vsel vm6, v37, v28;
	v26 =	vmin.f32 v36, v40;
	v28 =	vld [tilespmem:s25+$0x0]  }
0xbd: {  	vm6 =	vgt.f32 v26, v34;
	v4 =	vadd.f32 v31, v24  }
0xbe: {  	v5 =	vadd.f32 v23, v33;
	v6 =	vsel vm6, v26, v34;
	v60 =	vmin.f32 v27, v32  }
0xbf: {  	v61 =	vadd.f32 v22, v21;
	vm7 =	vgt.f32 v60, v6  }
0xc0: {  	v4 =	vadd.f32 v19, v4;
	v6 =	vsel vm7, v60, v6;
	v5 =	vmin.f32 v29, v5  }
0xc1: {  	v17 =	vadd.f32 v18, v17;
	vm8 =	vgt.f32 v5, v6  }
0xc2: {  	v16 =	vadd.f32 v16, v61;
	v4 =	vmin.f32 v28, v4;
	v6 =	vsel vm8, v5, v6  }
0xc3: {  	v13 =	vadd.f32 v14, v13;
	vm9 =	vgt.f32 v4, v6  }
0xc4: {  	v12 =	vadd.f32 v12, v17;
	v62 =	vmin.f32 v25, v16;
	v6 =	vsel vm9, v4, v6  }
0xc5: {  	vm10 =	vgt.f32 v62, v6  }
0xc6: {  	v10 =	vadd.f32 v10, v13;
	v12 =	vmin.f32 v20, v12;
	v6 =	vsel vm10, v62, v6  }
0xc7: {  	vm11 =	vgt.f32 v12, v6  }
0xc8: {  	v10 =	vmin.f32 v15, v10;
	v6 =	vsel vm11, v12, v6  }
0xc9: {  	vm12 =	vgt.f32 v10, v6  }
0xca: {  	v6 =	vsel vm12, v10, v6  }
0xcb: {  	(xrf0) =	vmax.scan.msk.f32 $0xffff, v6;
	_ =	sdelay $0x1  }
0xcc: {  	v11 =	vsel vm6, v11, v30  }
0xcd: {  	v9 =	vsel vm7, v9, v11  }
0xce: {  	s23 =	sadd.s32 $0xFFFFFFE0, s26;
	v8 =	vsel vm8, v8, v9  }
0xcf: {  	s29 =	sadd.s32 $0xFFFFFFF0, s26;
	v7 =	vsel vm9, v7, v8;
	v8 =	vor.u32 s23, v1  }
0xd0: {  	v7 =	vsel vm10, v8, v7;
	v8 =	vor.u32 s29, v1;
	v63, _, _ =	vpop (xrf0)  }
0xd1: {  	v7 =	vsel vm11, v8, v7;
	v8 =	vor.u32 s26, v1;
	v9 =	vbroadcast v63, $0xF  }
0xd2: {  	v7 =	vsel vm12, v8, v7  }
0xd3: {  	vm6 =	veq.f32 v6, v9;
	v6 =	vxor.u32 $0x80000000, v7  }
0xd4: {  	v6 =	vnsel vm6, $0xC0000000, v6  }
0xd5: {  	(xrf0) =	vmin.scan.msk.u32 $0xffff, v6;
	_ =	sdelay $0x5  }
0xd6: {  	v6, _, _ =	vpop (xrf0)  }
0xd7: {  	(v2sf) =	vpush v6, $0xF;
	_ =	sdelay $0xe  }
0xd8: {  	[tilespmem:s25+$0xFFFFFFD0] =	vst v26;
	s30 =	spop (v2sf)  }
0xd9: {  	[tilespmem:s25+$0xFFFFFFE0] =	vst v60;
	s23 =	sxor.u32 $0x80000000, s30  }
0xda: {  	[tilespmem:s25+$0xFFFFFFF0] =	vst v5;
	v5 =	vmov s23  }
0xdb: {  	[tilespmem:s25+$0x0] =	vst v4  }
0xdc: {  	[tilespmem:s25+$0x10] =	vst v62  }
0xdd: {  	[tilespmem:s25+$0x20] =	vst v12  }
0xde: {  	[tilespmem:s25+$0x30] =	vst v10  }
0xdf: {  	v4 =	vld.idx.msk [tilespmem:v5+s16+$0x0], $0xffff  }
0xe0: {  	v6 =	vld.idx.msk [tilespmem:v5+s17+$0x0], $0xffff  }
0xe1: {  	v7 =	vld.idx.msk [tilespmem:v5+s15+$0x0], $0xffff  }
0xe2: {  	v5 =	vld.idx.msk [tilespmem:v5+s2+$0x0], $0xffff;
	_ =	sdelay $0x2  }
0xe3: {  	v4 =	vsel vm1, v6, v4  }
0xe4: {  	v4 =	vsel vm2, v4, v7  }
0xe5: {  	v4 =	vsel vm3, v4, v5  }
0xe6: {  	v4 =	vsel vm5, v4, v9  }
0xe7: {  	[tilespmem:$0xF500] =	vst v4  }
0xe8: {  	[spmem:s9] =	stream.linear.scatter [tilespmem:s18], [sflag:$0x1], $0x10, $0x38;
	[tilespmem:$0xF710] =	vst v63  }
0xe9: {  	_ =	swait.ge [sflag:s4], $0x10  }
0xea: {  	[sflag:s4] =	ssyncset.done $0x0  }
0xeb: {  	[sflag:s4] =	ssyncadd.s32 $0xFFFFFFF0  }
0xec: {  	[bflag:$0x0] =	sbarrier.arrive $0xFFFF  }
0xed: {  	[tilespmem:s19], [sflag:$0x1] =	stream.linear.gather [spmem:s10], $0x80, $0x38;
	[tilespmem:$0xF710] =	vst v63  }
0xee: {  	_ =	swait.ge [sflag:s4], $0x80  }
0xef: {  	[sflag:s4] =	ssyncset.done $0x0  }
0xf0: {  	[sflag:s4] =	ssyncadd.s32 $0xFFFFFF80  }
0xf1: {  	v4 =	vld.idx.msk [tilespmem:v2+s19+$0x0], $0xff;
	_ =	sdelay $0x4  }
0xf2: {  	v4 =	vnsel vm4, $0xFF800000, v4  }
0xf3: {  	(xrf0) =	vmax.scan.msk.f32 $0xffff, v4;
	_ =	sdelay $0x5  }
0xf4: {  	v5, _, _ =	vpop (xrf0)  }
0xf5: {  	v5 =	vbroadcast v5, $0xF;
	_ =	sdelay $0x1  }
0xf6: {  	vm6 =	veq.f32 v4, v5  }
0xf7: {  	v4 =	vnsel vm6, $0x80000040, v3  }
0xf8: {  	(xrf0) =	vmin.scan.msk.u32 $0xffff, v4;
	_ =	sdelay $0x5  }
0xf9: {  	v4, _, _ =	vpop (xrf0)  }
0xfa: {  	(v2sf) =	vpush v4, $0xF;
	_ =	sdelay $0xe  }
0xfb: {  	s31 =	spop (v2sf)  }
0xfc: {  	s23 =	sshll.u32 s31, $0x4  }
0xfd: {  	v4 =	vmov s23  }
0xfe: {  	v7 =	vor.u32 $0x1, v4  }
0xff: {  	v5 =	vor.u32 $0x2, v4  }
0x100: {  	v6 =	vor.u32 $0x3, v4  }
.Ltmp6:
0x101: {  	_ = 	snop;
	(pc) =	sbr.rel @!p0 .LBB2_7-.Ltmp6, $4  }
0x102: {  	_ = 	snop  }
0x103: {  	v4 =	vld.idx.msk [tilespmem:v7+s19+$0x0], $0xffff  }
0x104: {  	v5 =	vld.idx.msk [tilespmem:v5+s19+$0x0], $0xffff  }
0x105: {  	s22 =	sadd.s32 $0x1, s22;
	v6 =	vld.idx.msk [tilespmem:v6+s19+$0x0], $0xffff  }
0x106: {  	p1 =	seq.s32 s22, $0x3F  }
.Ltmp7:
0x107: {  	_ = 	snop;
	(pc) =	sbr.rel @!p1 .LBB2_4-.Ltmp7, $4  }
.Ltmp8:
0x108: {  	_ = 	snop;
	(pc) =	sbr.rel @p1 .LBB2_9-.Ltmp8, $4  }
0x109: {  	_ = 	snop  }
0x10a: {  	_ = 	snop  }
0x10b: {  	_ = 	snop  }
0x10c: {  	_ = 	snop  }
.LBB2_10:
0x10d: {  	_ =	sfence.sel $0x180000  }
0x10e: {  	[bflag:$0x0] =	sbarrier.arrive $0xFFFF  }
0x10f: {  	p0 =	sne.s32 s0, $0x0;
	_ =	strace $0x90000047  }
0x110: {  	s0 =	sadd.s32 @!p0 $0x100000, s1;
	[bflag:$0x2] =	sbarrier.arrive $0xFFFF  }
0x111: {  	[sflag:s0] =	ssyncadd.tile.s32 @!p0 $0x1;
	_ =	shalt  }
.Lfunc_end2:
_tile_overlayer_lowered:
.L_overlay_start_2:
0x112: {  	(tag) =	ssettag $0x2  }
0x113: {  	s0 =	rddreg [dreg:$0x0];
	s2 =	stileid.u32  }
0x114: {  	s1 =	rddreg [dreg:$0x1];
	p0 =	sne.s32 s2, $0x0  }
0x115: {  	s3 =	rddreg [dreg:$0x2];
	[bflag:$0x3] =	sbarrier.arrive $0xFFFF;
	s2 =	simm.s32 @!p0 $0x1C01  }
0x116: {  	[timem:s3], [sflag:s2] =	dma.local @!p0 [hbm:s0], s1  }
0x117: {  	s0 =	simm.s32 @!p0 $0x1  }
0x118: {  	_ =	swait.ge @!p0 [sflag:s0], s1  }
0x119: {  	s1 =	ssub.s32 @!p0 $0x0, s1;
	[sflag:s0] =	ssyncset.done @!p0 $0x0  }
0x11a: {  	[sflag:s0] =	ssyncadd.s32 @!p0 s1  }
0x11b: {  	[bflag:$0x3] =	sbarrier.arrive $0xFFFF  }
0x11c: {  	_ =	shalt  }

</sc_bundles>
